<compile_context>
chip_gen: v7x
topology: tpu7x:2x2x1
jax: 0.10.2.dev20260603
libtpu: 0.0.44.dev20260713+nightly
codegen_flags: <defaults>
</compile_context>

<pallas_src>
import functools

import numpy as np
import jax
import jax.numpy as jnp
from jax import lax
from jax.experimental import pallas as pl
from jax.experimental.pallas import tpu as pltpu
from jax.experimental.pallas import tpu_sc as plsc

_A = 9
_STRIDE = 32
_PRE = 6000
_POST = 2000
_TH = 0.7
_NQ = 1152
_NFLAT = _A * _NQ
_NR = _NFLAT // 128
_NRP = 88
_NS = 6016
_NB = _NS // 128


def _anchor_consts():
    base_size, ratios, scales = 16, (0.5, 1.0, 2.0), (16, 32, 64)
    w = h = float(base_size)
    x_ctr = 0.5 * (w - 1.0)
    y_ctr = 0.5 * (h - 1.0)
    size = w * h
    rows = []
    for r in ratios:
        ws = np.round(np.sqrt(size / r))
        hs = np.round(ws * r)
        for s in scales:
            W2 = ws * s
            H2 = hs * s
            rows.append([x_ctr - 0.5 * (W2 - 1), y_ctr - 0.5 * (H2 - 1),
                         x_ctr + 0.5 * (W2 - 1), y_ctr + 0.5 * (H2 - 1)])
    b = np.array(rows, np.float64)
    aw = b[:, 2] - b[:, 0] + 1.0
    ah = b[:, 3] - b[:, 1] + 1.0
    acx = b[:, 0] + 0.5 * aw
    acy = b[:, 1] + 0.5 * ah
    q = np.arange(_NQ)
    qh, qw = q // 34, q % 34
    ACX = (acx[:, None] + (qw * _STRIDE)[None, :]).astype(np.float32)
    ACY = (acy[:, None] + (qh * _STRIDE)[None, :]).astype(np.float32)
    AW = np.broadcast_to(aw[:, None], (9, _NQ)).astype(np.float32).copy()
    AH = np.broadcast_to(ah[:, None], (9, _NQ)).astype(np.float32).copy()
    qv = (qh < 32) & (qw < 32)
    QV = np.broadcast_to(qv[None, :], (9, _NQ)).astype(np.float32).copy()
    ai = (qh * 32 + qw) * 9 + np.arange(9)[:, None]
    slot = np.arange(9 * _NQ).reshape(9, _NQ)
    AI = np.where(qv[None, :], ai, 10**7 + slot).astype(np.int32)
    return ACX, ACY, AW, AH, QV, AI


_ACX, _ACY, _AW, _AH, _QV, _AI = _anchor_consts()
_BOXPERM = np.array([a * 4 + j for j in range(4) for a in range(9)], np.int32)


def _k1_body(xcat, wcat, wc0, wc1, bc0, bc1, wbx, wby, wbw, wbh,
             bbx, bby, bbw, bbh, brpn, acx, acy, aw, ah, qv, bounds,
             ox1, oy1, ox2, oy2, osm):
    y = jnp.dot(wcat[...], xcat[...], preferred_element_type=jnp.float32)
    y = jnp.maximum(y + brpn[...], 0.0)
    ca = jnp.dot(wc0[...], y, preferred_element_type=jnp.float32) + bc0[...]
    cb = jnp.dot(wc1[...], y, preferred_element_type=jnp.float32) + bc1[...]
    m = jnp.maximum(jnp.max(ca, axis=0, keepdims=True),
                    jnp.max(cb, axis=0, keepdims=True))
    ea = jnp.exp(ca - m)
    eb = jnp.exp(cb - m)
    s = jnp.sum(ea, axis=0, keepdims=True) + jnp.sum(eb, axis=0, keepdims=True)
    sc = eb / s
    dx = jnp.dot(wbx[...], y, preferred_element_type=jnp.float32) + bbx[...]
    dy = jnp.dot(wby[...], y, preferred_element_type=jnp.float32) + bby[...]
    dw = jnp.dot(wbw[...], y, preferred_element_type=jnp.float32) + bbw[...]
    dh = jnp.dot(wbh[...], y, preferred_element_type=jnp.float32) + bbh[...]
    acx_, acy_, aw_, ah_ = acx[...], acy[...], aw[...], ah[...]
    pcx = dx * aw_ + acx_
    pcy = dy * ah_ + acy_
    pw = jnp.exp(dw) * aw_
    ph = jnp.exp(dh) * ah_
    xmax = bounds[0, 0]
    ymax = bounds[0, 1]
    x1 = jnp.clip(pcx - 0.5 * pw, 0.0, xmax)
    y1 = jnp.clip(pcy - 0.5 * ph, 0.0, ymax)
    x2 = jnp.clip(pcx + 0.5 * pw, 0.0, xmax)
    y2 = jnp.clip(pcy + 0.5 * ph, 0.0, ymax)
    ws = x2 - x1 + 1.0
    hs = y2 - y1 + 1.0
    valid = (ws >= 16.0) & (hs >= 16.0)
    sm = jnp.where(valid, sc, -1e9)
    sm = jnp.where(qv[...] > 0.5, sm, -2e9)
    ox1[...] = x1
    oy1[...] = y1
    ox2[...] = x2
    oy2[...] = y2
    osm[...] = sm


def _k2_body(s_ref, ai_ref, out):
    out[...] = jnp.zeros((_NR, 128), jnp.int32)
    onec = jnp.ones((128, 1), jnp.float32)
    oner = jnp.ones((1, 128), jnp.float32)

    def outer(I, c):
        srow_i = s_ref[pl.ds(I, 1), :]
        airow_i = ai_ref[pl.ds(I, 1), :]
        scol = jnp.transpose(srow_i)
        aicol = jnp.transpose(airow_i)
        gt = srow_i > scol
        eq = (srow_i == scol) & (airow_i < aicol)
        C = (gt | eq).astype(jnp.float32)
        acc0 = jnp.dot(C, onec, preferred_element_type=jnp.float32)

        def inner(J, acc):
            srow = s_ref[pl.ds(J, 1), :]
            airow = ai_ref[pl.ds(J, 1), :]
            gt = srow > scol
            eq = (srow == scol) & (airow < aicol)
            C = (gt | eq).astype(jnp.float32)
            acc = acc + jnp.dot(C, onec, preferred_element_type=jnp.float32)
            colsum = jnp.dot(oner, C, preferred_element_type=jnp.float32)
            out[pl.ds(J, 1), :] = (out[pl.ds(J, 1), :]
                                   + (128.0 - colsum).astype(jnp.int32))
            return acc

        acc = lax.fori_loop(I + 1, _NR, inner, acc0)
        out[pl.ds(I, 1), :] = (out[pl.ds(I, 1), :]
                               + jnp.transpose(acc).astype(jnp.int32))
        return c

    lax.fori_loop(0, _NR, outer, 0)


@functools.cache
def _make_k3():
  mesh = plsc.VectorSubcoreMesh(core_axis_name="c", subcore_axis_name="s")

  @functools.partial(
      pl.kernel,
      out_type=[jax.ShapeDtypeStruct((_NS,), jnp.float32)] * 4,
      mesh=mesh,
      scratch_types=[pltpu.VMEM((_NFLAT,), jnp.int32)]
      + [pltpu.VMEM((_NFLAT,), jnp.float32)] * 4
      + [pltpu.VMEM((_NS,), jnp.float32)] * 4,
      compiler_params=pltpu.CompilerParams(needs_layout_passes=False),
  )
  def _k3(rank_h, x1_h, y1_h, x2_h, y2_h, ox1_h, oy1_h, ox2_h, oy2_h,
          rank_v, x1_v, y1_v, x2_v, y2_v, s1_v, s2_v, s3_v, s4_v):
    wid = lax.axis_index("s") * 2 + lax.axis_index("c")

    @pl.when(wid == 0)
    def _():
        pltpu.sync_copy(rank_h, rank_v)
        pltpu.sync_copy(x1_h, x1_v)
        pltpu.sync_copy(y1_h, y1_v)
        pltpu.sync_copy(x2_h, x2_v)
        pltpu.sync_copy(y2_h, y2_v)

        def body(i, c):
            r = rank_v[pl.ds(i * 16, 16)]
            ok = r < _NS
            rc = jnp.minimum(r, _NS - 1)
            plsc.store_scatter(s1_v, [rc], x1_v[pl.ds(i * 16, 16)], mask=ok)
            plsc.store_scatter(s2_v, [rc], y1_v[pl.ds(i * 16, 16)], mask=ok)
            plsc.store_scatter(s3_v, [rc], x2_v[pl.ds(i * 16, 16)], mask=ok)
            plsc.store_scatter(s4_v, [rc], y2_v[pl.ds(i * 16, 16)], mask=ok)
            return c

        lax.fori_loop(0, _NFLAT // 16, body, 0, unroll=4)
        pltpu.sync_copy(s1_v, ox1_h)
        pltpu.sync_copy(s2_v, oy1_h)
        pltpu.sync_copy(s3_v, ox2_h)
        pltpu.sync_copy(s4_v, oy2_h)

  return _k3


def _k4_body(x1, y1, x2, y2, live, keep):
    i = pl.program_id(0)

    @pl.when(i == 0)
    def _():
        keep[...] = live[...]

    px1 = x1[pl.ds(i, 1), :]
    py1 = y1[pl.ds(i, 1), :]
    px2 = x2[pl.ds(i, 1), :]
    py2 = y2[pl.ds(i, 1), :]
    par = (px2 - px1 + 1.0) * (py2 - py1 + 1.0)
    px1c = jnp.transpose(px1)
    py1c = jnp.transpose(py1)
    px2c = jnp.transpose(px2)
    py2c = jnp.transpose(py2)
    parc = jnp.transpose(par)

    xx1 = jnp.maximum(px1c, px1)
    yy1 = jnp.maximum(py1c, py1)
    xx2 = jnp.minimum(px2c, px2)
    yy2 = jnp.minimum(py2c, py2)
    w = jnp.maximum(0.0, xx2 - xx1 + 1.0)
    h = jnp.maximum(0.0, yy2 - yy1 + 1.0)
    inter = w * h
    iou = inter / (parc + par - inter)
    tri = (lax.broadcasted_iota(jnp.int32, (128, 128), 0)
           < lax.broadcasted_iota(jnp.int32, (128, 128), 1))
    M = ((iou > _TH) & tri).astype(jnp.float32)

    kb0 = keep[pl.ds(i, 1), :]

    def fcond(c):
        it, prev, cur = c
        return (it < 130) & jnp.any(prev != cur)

    def fbody(c):
        it, prev, cur = c
        nxt = kb0 * (jnp.dot(cur, M, preferred_element_type=jnp.float32)
                     == 0.0).astype(jnp.float32)
        return it + 1, cur, nxt

    first = kb0 * (jnp.dot(kb0, M, preferred_element_type=jnp.float32)
                   == 0.0).astype(jnp.float32)
    _, _, kb = lax.while_loop(fcond, fbody, (0, kb0, first))
    keep[pl.ds(i, 1), :] = kb

    def cbody(lr, c):
        lx1 = x1[pl.ds(lr, 1), :]
        ly1 = y1[pl.ds(lr, 1), :]
        lx2 = x2[pl.ds(lr, 1), :]
        ly2 = y2[pl.ds(lr, 1), :]
        lar = (lx2 - lx1 + 1.0) * (ly2 - ly1 + 1.0)
        xx1 = jnp.maximum(px1c, lx1)
        yy1 = jnp.maximum(py1c, ly1)
        xx2 = jnp.minimum(px2c, lx2)
        yy2 = jnp.minimum(py2c, ly2)
        w = jnp.maximum(0.0, xx2 - xx1 + 1.0)
        h = jnp.maximum(0.0, yy2 - yy1 + 1.0)
        inter = w * h
        iou = inter / (parc + lar - inter)
        Mx = (iou > _TH).astype(jnp.float32)
        supp = jnp.dot(kb, Mx, preferred_element_type=jnp.float32)
        keep[pl.ds(lr, 1), :] = (keep[pl.ds(lr, 1), :]
                                 * (supp == 0.0).astype(jnp.float32))
        return c

    lax.fori_loop(i + 1, _NB, cbody, 0)


@functools.cache
def _make_k5():
  mesh = plsc.VectorSubcoreMesh(core_axis_name="c", subcore_axis_name="s")

  @functools.partial(
      pl.kernel,
      out_type=[jax.ShapeDtypeStruct((_POST,), jnp.float32)] * 4,
      mesh=mesh,
      scratch_types=[pltpu.VMEM((_NS,), jnp.float32)] * 5
      + [pltpu.VMEM((_POST,), jnp.float32)] * 4,
      compiler_params=pltpu.CompilerParams(needs_layout_passes=False),
  )
  def _k5(keep_h, x1_h, y1_h, x2_h, y2_h, o1_h, o2_h, o3_h, o4_h,
          kv, xv, yv, zv, wv, q1, q2, q3, q4):
    wid = lax.axis_index("s") * 2 + lax.axis_index("c")

    @pl.when(wid == 0)
    def _():
        pltpu.sync_copy(keep_h, kv)
        pltpu.sync_copy(x1_h, xv)
        pltpu.sync_copy(y1_h, yv)
        pltpu.sync_copy(x2_h, zv)
        pltpu.sync_copy(y2_h, wv)

        vx = xv[pl.ds(0, 16)]
        vy = yv[pl.ds(0, 16)]
        vz = zv[pl.ds(0, 16)]
        vw = wv[pl.ds(0, 16)]
        f1 = jnp.full((16,), vx[0], jnp.float32)
        f2 = jnp.full((16,), vy[0], jnp.float32)
        f3 = jnp.full((16,), vz[0], jnp.float32)
        f4 = jnp.full((16,), vw[0], jnp.float32)

        def fill(i, c):
            q1[pl.ds(i * 16, 16)] = f1
            q2[pl.ds(i * 16, 16)] = f2
            q3[pl.ds(i * 16, 16)] = f3
            q4[pl.ds(i * 16, 16)] = f4
            return c

        lax.fori_loop(0, _POST // 16, fill, 0, unroll=4)

        def body(i, cnt):
            k = kv[pl.ds(i * 16, 16)]
            m = k > 0.5
            mi = m.astype(jnp.int32)
            cs = plsc.cumsum(mi)
            pos = cnt + cs - 1
            ok = m & (pos < _POST)
            posc = jnp.minimum(jnp.maximum(pos, 0), _POST - 1)
            plsc.store_scatter(q1, [posc], xv[pl.ds(i * 16, 16)], mask=ok)
            plsc.store_scatter(q2, [posc], yv[pl.ds(i * 16, 16)], mask=ok)
            plsc.store_scatter(q3, [posc], zv[pl.ds(i * 16, 16)], mask=ok)
            plsc.store_scatter(q4, [posc], wv[pl.ds(i * 16, 16)], mask=ok)
            return cnt + jnp.sum(mi)

        lax.fori_loop(0, _NS // 16, body, 0, unroll=4)
        pltpu.sync_copy(q1, o1_h)
        pltpu.sync_copy(q2, o2_h)
        pltpu.sync_copy(q3, o3_h)
        pltpu.sync_copy(q4, o4_h)

  return _k5


def kernel(pyramid_network, image_height, image_width, gt_boxes,
           W_rpn, b_rpn, W_box, b_box, W_cls, b_cls):
    f32 = jnp.float32
    feats = pyramid_network[3].reshape(256, 32, 32)
    xpad = jnp.pad(feats, ((0, 0), (1, 1), (1, 1))).reshape(256, 34 * 34)
    xpad = jnp.pad(xpad, ((0, 0), (0, 70 + _NQ - 34 * 34)))
    xcat = jnp.stack(
        [xpad[:, ky * 34 + kx: ky * 34 + kx + _NQ]
         for ky in range(3) for kx in range(3)], axis=1
    ).reshape(2304, _NQ)
    wcat = W_rpn.reshape(256, 2304)
    wc = W_cls.reshape(18, 256)
    wc0, wc1 = wc[0:9], wc[9:18]
    bc0, bc1 = b_cls[0:9].reshape(9, 1), b_cls[9:18].reshape(9, 1)
    wb = W_box.reshape(36, 256)
    wbx, wby, wbw, wbh = wb[0::4], wb[1::4], wb[2::4], wb[3::4]
    bbx, bby = b_box[0::4].reshape(9, 1), b_box[1::4].reshape(9, 1)
    bbw, bbh = b_box[2::4].reshape(9, 1), b_box[3::4].reshape(9, 1)
    brpn = b_rpn.reshape(256, 1)
    bounds = jnp.stack([(image_width - 1.0).astype(f32)
                        if hasattr(image_width, "astype")
                        else jnp.asarray(image_width - 1.0, f32),
                        (image_height - 1.0).astype(f32)
                        if hasattr(image_height, "astype")
                        else jnp.asarray(image_height - 1.0, f32)]).reshape(1, 2)

    shp = jax.ShapeDtypeStruct((9, _NQ), f32)
    vspec = pl.BlockSpec(memory_space=pltpu.VMEM)
    x1, y1, x2, y2, sm = pl.pallas_call(
        _k1_body,
        out_shape=[shp] * 5,
        in_specs=[vspec] * 20 + [pl.BlockSpec(memory_space=pltpu.SMEM)],
        out_specs=[vspec] * 5,
    )(xcat, wcat, wc0, wc1, bc0, bc1, wbx, wby, wbw, wbh,
      bbx, bby, bbw, bbh, brpn,
      jnp.asarray(_ACX), jnp.asarray(_ACY), jnp.asarray(_AW), jnp.asarray(_AH),
      jnp.asarray(_QV), bounds)

    rank = pl.pallas_call(
        _k2_body,
        out_shape=jax.ShapeDtypeStruct((_NR, 128), jnp.int32),
        in_specs=[vspec, vspec],
        out_specs=vspec,
    )(sm.reshape(_NR, 128), jnp.asarray(_AI).reshape(_NR, 128))

    sx1, sy1, sx2, sy2 = _make_k3()(rank.reshape(_NFLAT),
                                    x1.reshape(_NFLAT), y1.reshape(_NFLAT),
                                    x2.reshape(_NFLAT), y2.reshape(_NFLAT))

    live = jnp.asarray((np.arange(_NS) < _PRE).reshape(_NB, 128)
                       .astype(np.float32))
    keep = pl.pallas_call(
        _k4_body,
        grid=(_NB,),
        out_shape=jax.ShapeDtypeStruct((_NB, 128), f32),
        in_specs=[pl.BlockSpec((_NB, 128), lambda c: (0, 0))] * 5,
        out_specs=pl.BlockSpec((_NB, 128), lambda c: (0, 0)),
    )(sx1.reshape(_NB, 128), sy1.reshape(_NB, 128),
      sx2.reshape(_NB, 128), sy2.reshape(_NB, 128), live)

    o1, o2, o3, o4 = _make_k5()(keep.reshape(_NS), sx1, sy1, sx2, sy2)
    return jnp.stack([jnp.zeros((_POST,), f32), o1, o2, o3, o4], axis=1)

# --- scband reference (transcript-rebuilt; emitter-appended) ---
"""Pipeline reference for scband-rpn-87471303950733 (READ-ONLY COPY).

The authoritative reference and input builder live on the scoring server;
editing this copy changes nothing except your own understanding.
"""

import jax, jax.numpy as jnp
import numpy as np
from jax import lax

A = 9
STRIDE = 32
PRE_NMS = 6000
POST_NMS = 2000
NMS_THRESH = 0.7
MIN_SIZE = 16.0


def _base_anchors(base_size=16, ratios=(0.5, 1.0, 2.0), scales=(16, 32, 64)):
    w = h = float(base_size)
    x_ctr = 0.5 * (w - 1.0)
    y_ctr = 0.5 * (h - 1.0)
    size = w * h
    out = []
    for r in ratios:
        ws = np.round(np.sqrt(size / r))
        hs = np.round(ws * r)
        for s in scales:
            W2 = ws * s
            H2 = hs * s
            out.append([x_ctr - 0.5 * (W2 - 1), y_ctr - 0.5 * (H2 - 1), x_ctr + 0.5 * (W2 - 1), y_ctr + 0.5 * (H2 - 1)])
    return np.array(out, dtype=np.float32)


def _conv(x, W, b, padding):
    y = lax.conv_general_dilated(x, W, (1, 1), padding, dimension_numbers=('NCHW', 'OIHW', 'NCHW'))
    return y + b[None, :, None, None]


def _bbox_transform_inv(anchors, deltas):
    widths = anchors[:, 2] - anchors[:, 0] + 1.0
    heights = anchors[:, 3] - anchors[:, 1] + 1.0
    ctr_x = anchors[:, 0] + 0.5 * widths
    ctr_y = anchors[:, 1] + 0.5 * heights
    dx, dy, dw, dh = deltas[:, 0], deltas[:, 1], deltas[:, 2], deltas[:, 3]
    pcx = dx * widths + ctr_x
    pcy = dy * heights + ctr_y
    pw = jnp.exp(dw) * widths
    ph = jnp.exp(dh) * heights
    return jnp.stack([pcx - 0.5 * pw, pcy - 0.5 * ph, pcx + 0.5 * pw, pcy + 0.5 * ph], axis=1)


def _clip_boxes(boxes, im_h, im_w):
    x1 = jnp.clip(boxes[:, 0], 0.0, im_w - 1.0)
    y1 = jnp.clip(boxes[:, 1], 0.0, im_h - 1.0)
    x2 = jnp.clip(boxes[:, 2], 0.0, im_w - 1.0)
    y2 = jnp.clip(boxes[:, 3], 0.0, im_h - 1.0)
    return jnp.stack([x1, y1, x2, y2], axis=1)


def _nms_keep(boxes, thresh, max_out):
    n = boxes.shape[0]
    x1, y1, x2, y2 = boxes[:, 0], boxes[:, 1], boxes[:, 2], boxes[:, 3]
    areas = (x2 - x1 + 1.0) * (y2 - y1 + 1.0)
    rng = jnp.arange(n)

    def body(i, keep):
        xx1 = jnp.maximum(x1[i], x1)
        yy1 = jnp.maximum(y1[i], y1)
        xx2 = jnp.minimum(x2[i], x2)
        yy2 = jnp.minimum(y2[i], y2)
        w = jnp.maximum(0.0, xx2 - xx1 + 1.0)
        h = jnp.maximum(0.0, yy2 - yy1 + 1.0)
        inter = w * h
        iou = inter / (areas[i] + areas - inter)
        suppress = (iou > thresh) & (rng > i) & keep[i]
        return keep & (~suppress)

    keep = lax.fori_loop(0, n, body, jnp.ones((n,), dtype=bool))
    return jnp.nonzero(keep, size=max_out, fill_value=0)[0]


def _proposal_layer(rpn_cls_prob, rpn_bbox_pred, im_h, im_w):
    _, _, H, W = rpn_cls_prob.shape
    scores = jnp.transpose(rpn_cls_prob[:, A:, :, :], (0, 2, 3, 1)).reshape(-1)
    deltas = jnp.transpose(rpn_bbox_pred, (0, 2, 3, 1)).reshape(-1, 4)
    base = jnp.asarray(_base_anchors())
    sx, sy = jnp.meshgrid(jnp.arange(W) * STRIDE, jnp.arange(H) * STRIDE)
    shifts = jnp.stack([sx.ravel(), sy.ravel(), sx.ravel(), sy.ravel()], axis=1).astype(jnp.float32)
    anchors = (shifts[:, None, :] + base[None, :, :]).reshape(-1, 4)
    proposals = _clip_boxes(_bbox_transform_inv(anchors, deltas), im_h, im_w)
    ws = proposals[:, 2] - proposals[:, 0] + 1.0
    hs = proposals[:, 3] - proposals[:, 1] + 1.0
    valid = (ws >= MIN_SIZE) & (hs >= MIN_SIZE)
    scores = jnp.where(valid, scores, -1e9)
    _, order = lax.top_k(scores, PRE_NMS)
    props = proposals[order]
    keep = _nms_keep(lax.stop_gradient(props), NMS_THRESH, POST_NMS)
    final = props[keep]
    return jnp.concatenate([jnp.zeros((POST_NMS, 1), final.dtype), final], axis=1)


def _forward(pyramid_network, im_h, im_w, W_rpn, b_rpn, W_box, b_box, W_cls, b_cls):
    features = pyramid_network[3]
    rpn_conv1 = jax.nn.relu(_conv(features, W_rpn, b_rpn, 'SAME'))
    rpn_cls_score = _conv(rpn_conv1, W_cls, b_cls, 'VALID')
    rpn_cls_prob = jax.nn.softmax(rpn_cls_score, axis=1)
    rpn_bbox_pred = _conv(rpn_conv1, W_box, b_box, 'VALID')
    return _proposal_layer(rpn_cls_prob, rpn_bbox_pred, im_h, im_w)


def setup_inputs(seed: int = 0):
    key = jax.random.key(seed)
    ks = jax.random.split(key, 8)
    pyramid_network = jax.random.normal(ks[0], (4, 1, 256, 32, 32), dtype=jnp.float32)
    xy = jax.random.uniform(ks[1], (20, 2), minval=0.0, maxval=700.0)
    wh = jax.random.uniform(ks[2], (20, 2), minval=32.0, maxval=300.0)
    gt_boxes = jnp.concatenate([xy, xy + wh], axis=1)
    W_rpn = jax.random.normal(ks[3], (256, 256, 3, 3), dtype=jnp.float32) * 0.02
    b_rpn = jnp.zeros((256,), jnp.float32)
    W_box = jax.random.normal(ks[4], (36, 256, 1, 1), dtype=jnp.float32) * 0.02
    b_box = jnp.zeros((36,), jnp.float32)
    W_cls = jax.random.normal(ks[5], (18, 256, 1, 1), dtype=jnp.float32) * 0.02
    b_cls = jnp.zeros((18,), jnp.float32)
    return {"pyramid_network": pyramid_network, "image_height": 1024, "image_width": 1024, "gt_boxes": gt_boxes, "W_rpn": W_rpn, "b_rpn": b_rpn, "W_box": W_box, "b_box": b_box, "W_cls": W_cls, "b_cls": b_cls}


def reference(pyramid_network, image_height, image_width, gt_boxes, W_rpn, b_rpn, W_box, b_box, W_cls, b_cls):
    return _forward(pyramid_network, image_height, image_width, W_rpn, b_rpn, W_box, b_box, W_cls, b_cls)

if __name__ == "__main__":
    import jax
    _d = setup_inputs()
    print(jax.jit(kernel)(*tuple(_d.values())))

</pallas_src>

<mosaic_0001>
#map = affine_map<(d0, d1) -> (0)>
module attributes {stable_mosaic.version = 14 : i64} {
  func.func @_k5(%arg0: i32, %arg1: i32, %arg2: memref<6016xf32, #tpu.memory_space<hbm>>, %arg3: memref<6016xf32, #tpu.memory_space<hbm>>, %arg4: memref<6016xf32, #tpu.memory_space<hbm>>, %arg5: memref<6016xf32, #tpu.memory_space<hbm>>, %arg6: memref<6016xf32, #tpu.memory_space<hbm>>, %arg7: memref<2000xf32, #tpu.memory_space<hbm>>, %arg8: memref<2000xf32, #tpu.memory_space<hbm>>, %arg9: memref<2000xf32, #tpu.memory_space<hbm>>, %arg10: memref<2000xf32, #tpu.memory_space<hbm>>, %arg11: memref<6016xf32, #tpu.memory_space<vmem>>, %arg12: memref<6016xf32, #tpu.memory_space<vmem>>, %arg13: memref<6016xf32, #tpu.memory_space<vmem>>, %arg14: memref<6016xf32, #tpu.memory_space<vmem>>, %arg15: memref<6016xf32, #tpu.memory_space<vmem>>, %arg16: memref<2000xf32, #tpu.memory_space<vmem>>, %arg17: memref<2000xf32, #tpu.memory_space<vmem>>, %arg18: memref<2000xf32, #tpu.memory_space<vmem>>, %arg19: memref<2000xf32, #tpu.memory_space<vmem>>) attributes {dimension_semantics = [#tpu.dimension_semantics<core_parallel>, #tpu.dimension_semantics<subcore_parallel>], iteration_bounds = array<i64: 2, 16>, scalar_prefetch = 0 : i64, scratch_operands = 9 : i64, tpu.core_type = #tpu.core_type<sc_vector_subcore>, window_params = [{transform_indices = #map}, {transform_indices = #map}, {transform_indices = #map}, {transform_indices = #map}, {transform_indices = #map}, {transform_indices = #map}, {transform_indices = #map}, {transform_indices = #map}, {transform_indices = #map}]} {
    %mul3A = arith.constant 2 : i32
    %mul3A_0 = arith.muli %arg1, %mul3A : i32
    %add3A = arith.addi %mul3A_0, %arg0 : i32
    %eq3A = arith.constant 0 : i32
    %eq3A_1 = arith.cmpi eq, %add3A, %eq3A : i32
    %convert_element_type3A = arith.extui %eq3A_1 : i1 to i32
    %cond3A = arith.constant 0 : i32
    %cond3A_2 = arith.cmpi ne, %convert_element_type3A, %cond3A : i32
    scf.if %cond3A_2 {
      "tpu.region"() ({
        %run_scoped3A = tpu.sem_alloc : memref<!tpu.dma_semaphore, #tpu.memory_space<semaphore_mem>>
        tpu.enqueue_dma source(%arg2 : memref<6016xf32, #tpu.memory_space<hbm>>) target(%arg11 : memref<6016xf32, #tpu.memory_space<vmem>>) target_semaphore(%run_scoped3A : memref<!tpu.dma_semaphore, #tpu.memory_space<semaphore_mem>>)
        tpu.wait_dma2 semaphore(%run_scoped3A : memref<!tpu.dma_semaphore, #tpu.memory_space<semaphore_mem>>) src(%arg2 : memref<6016xf32, #tpu.memory_space<hbm>>) dst(%arg11 : memref<6016xf32, #tpu.memory_space<vmem>>)
        tpu.yield
      }) : () -> ()
      "tpu.region"() ({
        %run_scoped3A = tpu.sem_alloc : memref<!tpu.dma_semaphore, #tpu.memory_space<semaphore_mem>>
        tpu.enqueue_dma source(%arg3 : memref<6016xf32, #tpu.memory_space<hbm>>) target(%arg12 : memref<6016xf32, #tpu.memory_space<vmem>>) target_semaphore(%run_scoped3A : memref<!tpu.dma_semaphore, #tpu.memory_space<semaphore_mem>>)
        tpu.wait_dma2 semaphore(%run_scoped3A : memref<!tpu.dma_semaphore, #tpu.memory_space<semaphore_mem>>) src(%arg3 : memref<6016xf32, #tpu.memory_space<hbm>>) dst(%arg12 : memref<6016xf32, #tpu.memory_space<vmem>>)
        tpu.yield
      }) : () -> ()
      "tpu.region"() ({
        %run_scoped3A = tpu.sem_alloc : memref<!tpu.dma_semaphore, #tpu.memory_space<semaphore_mem>>
        tpu.enqueue_dma source(%arg4 : memref<6016xf32, #tpu.memory_space<hbm>>) target(%arg13 : memref<6016xf32, #tpu.memory_space<vmem>>) target_semaphore(%run_scoped3A : memref<!tpu.dma_semaphore, #tpu.memory_space<semaphore_mem>>)
        tpu.wait_dma2 semaphore(%run_scoped3A : memref<!tpu.dma_semaphore, #tpu.memory_space<semaphore_mem>>) src(%arg4 : memref<6016xf32, #tpu.memory_space<hbm>>) dst(%arg13 : memref<6016xf32, #tpu.memory_space<vmem>>)
        tpu.yield
      }) : () -> ()
      "tpu.region"() ({
        %run_scoped3A = tpu.sem_alloc : memref<!tpu.dma_semaphore, #tpu.memory_space<semaphore_mem>>
        tpu.enqueue_dma source(%arg5 : memref<6016xf32, #tpu.memory_space<hbm>>) target(%arg14 : memref<6016xf32, #tpu.memory_space<vmem>>) target_semaphore(%run_scoped3A : memref<!tpu.dma_semaphore, #tpu.memory_space<semaphore_mem>>)
        tpu.wait_dma2 semaphore(%run_scoped3A : memref<!tpu.dma_semaphore, #tpu.memory_space<semaphore_mem>>) src(%arg5 : memref<6016xf32, #tpu.memory_space<hbm>>) dst(%arg14 : memref<6016xf32, #tpu.memory_space<vmem>>)
        tpu.yield
      }) : () -> ()
      "tpu.region"() ({
        %run_scoped3A = tpu.sem_alloc : memref<!tpu.dma_semaphore, #tpu.memory_space<semaphore_mem>>
        tpu.enqueue_dma source(%arg6 : memref<6016xf32, #tpu.memory_space<hbm>>) target(%arg15 : memref<6016xf32, #tpu.memory_space<vmem>>) target_semaphore(%run_scoped3A : memref<!tpu.dma_semaphore, #tpu.memory_space<semaphore_mem>>)
        tpu.wait_dma2 semaphore(%run_scoped3A : memref<!tpu.dma_semaphore, #tpu.memory_space<semaphore_mem>>) src(%arg6 : memref<6016xf32, #tpu.memory_space<hbm>>) dst(%arg15 : memref<6016xf32, #tpu.memory_space<vmem>>)
        tpu.yield
      }) : () -> ()
      %get3A = arith.constant 0 : index
      %get3A_3 = tpu.vector_load %arg12[%get3A] {strides = array<i32>} : memref<6016xf32, #tpu.memory_space<vmem>>, vector<16xf32>,
      %get3A_4 = arith.constant 0 : index
      %get3A_5 = tpu.vector_load %arg13[%get3A_4] {strides = array<i32>} : memref<6016xf32, #tpu.memory_space<vmem>>, vector<16xf32>,
      %get3A_6 = arith.constant 0 : index
      %get3A_7 = tpu.vector_load %arg14[%get3A_6] {strides = array<i32>} : memref<6016xf32, #tpu.memory_space<vmem>>, vector<16xf32>,
      %get3A_8 = arith.constant 0 : index
      %get3A_9 = tpu.vector_load %arg15[%get3A_8] {strides = array<i32>} : memref<6016xf32, #tpu.memory_space<vmem>>, vector<16xf32>,
      %slice3A = vector.extract_strided_slice %get3A_3 {offsets = [0], sizes = [1], strides = [1]} : vector<16xf32> to vector<1xf32>
      %squeeze3A = vector.extract %slice3A[0] : f32 from vector<1xf32>
      %broadcast_in_dim3A = vector.broadcast %squeeze3A : f32 to vector<16xf32>
      %slice3A_10 = vector.extract_strided_slice %get3A_5 {offsets = [0], sizes = [1], strides = [1]} : vector<16xf32> to vector<1xf32>
      %squeeze3A_11 = vector.extract %slice3A_10[0] : f32 from vector<1xf32>
      %broadcast_in_dim3A_12 = vector.broadcast %squeeze3A_11 : f32 to vector<16xf32>
      %slice3A_13 = vector.extract_strided_slice %get3A_7 {offsets = [0], sizes = [1], strides = [1]} : vector<16xf32> to vector<1xf32>
      %squeeze3A_14 = vector.extract %slice3A_13[0] : f32 from vector<1xf32>
      %broadcast_in_dim3A_15 = vector.broadcast %squeeze3A_14 : f32 to vector<16xf32>
      %slice3A_16 = vector.extract_strided_slice %get3A_9 {offsets = [0], sizes = [1], strides = [1]} : vector<16xf32> to vector<1xf32>
      %squeeze3A_17 = vector.extract %slice3A_16[0] : f32 from vector<1xf32>
      %broadcast_in_dim3A_18 = vector.broadcast %squeeze3A_17 : f32 to vector<16xf32>
      %scan3A = arith.constant 0 : i32
      %scan3A_19 = arith.constant 0 : i32
      %scan3A_20 = arith.constant 124 : i32
      %scan3A_21 = arith.addi %scan3A_19, %scan3A_20 : i32
      %scan3A_22 = arith.constant 4 : i32
      scf.for %scan3A_48 = %scan3A_19 to %scan3A_21 step %scan3A_22  : i32 {
        %mul3A_49 = arith.constant 16 : i32
        %mul3A_50 = arith.muli %scan3A_48, %mul3A_49 : i32
        %swap3A_51 = arith.index_cast %mul3A_50 : i32 to index
        %swap3A_52 = tpu.vector_load %arg16[%swap3A_51] {strides = array<i32>} : memref<2000xf32, #tpu.memory_space<vmem>>, vector<16xf32>,
        tpu.vector_store %arg16[%swap3A_51], %broadcast_in_dim3A {strides = array<i32>} : memref<2000xf32, #tpu.memory_space<vmem>>, vector<16xf32>,
        %mul3A_53 = arith.constant 16 : i32
        %mul3A_54 = arith.muli %scan3A_48, %mul3A_53 : i32
        %swap3A_55 = arith.index_cast %mul3A_54 : i32 to index
        %swap3A_56 = tpu.vector_load %arg17[%swap3A_55] {strides = array<i32>} : memref<2000xf32, #tpu.memory_space<vmem>>, vector<16xf32>,
        tpu.vector_store %arg17[%swap3A_55], %broadcast_in_dim3A_12 {strides = array<i32>} : memref<2000xf32, #tpu.memory_space<vmem>>, vector<16xf32>,
        %mul3A_57 = arith.constant 16 : i32
        %mul3A_58 = arith.muli %scan3A_48, %mul3A_57 : i32
        %swap3A_59 = arith.index_cast %mul3A_58 : i32 to index
        %swap3A_60 = tpu.vector_load %arg18[%swap3A_59] {strides = array<i32>} : memref<2000xf32, #tpu.memory_space<vmem>>, vector<16xf32>,
        tpu.vector_store %arg18[%swap3A_59], %broadcast_in_dim3A_15 {strides = array<i32>} : memref<2000xf32, #tpu.memory_space<vmem>>, vector<16xf32>,
        %mul3A_61 = arith.constant 16 : i32
        %mul3A_62 = arith.muli %scan3A_48, %mul3A_61 : i32
        %swap3A_63 = arith.index_cast %mul3A_62 : i32 to index
        %swap3A_64 = tpu.vector_load %arg19[%swap3A_63] {strides = array<i32>} : memref<2000xf32, #tpu.memory_space<vmem>>, vector<16xf32>,
        tpu.vector_store %arg19[%swap3A_63], %broadcast_in_dim3A_18 {strides = array<i32>} : memref<2000xf32, #tpu.memory_space<vmem>>, vector<16xf32>,
        %scan3A_65 = arith.constant 1 : i32
        %scan3A_66 = arith.addi %scan3A_48, %scan3A_65 : i32
        %mul3A_67 = arith.constant 16 : i32
        %mul3A_68 = arith.muli %scan3A_66, %mul3A_67 : i32
        %swap3A_69 = arith.index_cast %mul3A_68 : i32 to index
        %swap3A_70 = tpu.vector_load %arg16[%swap3A_69] {strides = array<i32>} : memref<2000xf32, #tpu.memory_space<vmem>>, vector<16xf32>,
        tpu.vector_store %arg16[%swap3A_69], %broadcast_in_dim3A {strides = array<i32>} : memref<2000xf32, #tpu.memory_space<vmem>>, vector<16xf32>,
        %mul3A_71 = arith.constant 16 : i32
        %mul3A_72 = arith.muli %scan3A_66, %mul3A_71 : i32
        %swap3A_73 = arith.index_cast %mul3A_72 : i32 to index
        %swap3A_74 = tpu.vector_load %arg17[%swap3A_73] {strides = array<i32>} : memref<2000xf32, #tpu.memory_space<vmem>>, vector<16xf32>,
        tpu.vector_store %arg17[%swap3A_73], %broadcast_in_dim3A_12 {strides = array<i32>} : memref<2000xf32, #tpu.memory_space<vmem>>, vector<16xf32>,
        %mul3A_75 = arith.constant 16 : i32
        %mul3A_76 = arith.muli %scan3A_66, %mul3A_75 : i32
        %swap3A_77 = arith.index_cast %mul3A_76 : i32 to index
        %swap3A_78 = tpu.vector_load %arg18[%swap3A_77] {strides = array<i32>} : memref<2000xf32, #tpu.memory_space<vmem>>, vector<16xf32>,
        tpu.vector_store %arg18[%swap3A_77], %broadcast_in_dim3A_15 {strides = array<i32>} : memref<2000xf32, #tpu.memory_space<vmem>>, vector<16xf32>,
        %mul3A_79 = arith.constant 16 : i32
        %mul3A_80 = arith.muli %scan3A_66, %mul3A_79 : i32
        %swap3A_81 = arith.index_cast %mul3A_80 : i32 to index
        %swap3A_82 = tpu.vector_load %arg19[%swap3A_81] {strides = array<i32>} : memref<2000xf32, #tpu.memory_space<vmem>>, vector<16xf32>,
        tpu.vector_store %arg19[%swap3A_81], %broadcast_in_dim3A_18 {strides = array<i32>} : memref<2000xf32, #tpu.memory_space<vmem>>, vector<16xf32>,
        %scan3A_83 = arith.constant 2 : i32
        %scan3A_84 = arith.addi %scan3A_48, %scan3A_83 : i32
        %mul3A_85 = arith.constant 16 : i32
        %mul3A_86 = arith.muli %scan3A_84, %mul3A_85 : i32
        %swap3A_87 = arith.index_cast %mul3A_86 : i32 to index
        %swap3A_88 = tpu.vector_load %arg16[%swap3A_87] {strides = array<i32>} : memref<2000xf32, #tpu.memory_space<vmem>>, vector<16xf32>,
        tpu.vector_store %arg16[%swap3A_87], %broadcast_in_dim3A {strides = array<i32>} : memref<2000xf32, #tpu.memory_space<vmem>>, vector<16xf32>,
        %mul3A_89 = arith.constant 16 : i32
        %mul3A_90 = arith.muli %scan3A_84, %mul3A_89 : i32
        %swap3A_91 = arith.index_cast %mul3A_90 : i32 to index
        %swap3A_92 = tpu.vector_load %arg17[%swap3A_91] {strides = array<i32>} : memref<2000xf32, #tpu.memory_space<vmem>>, vector<16xf32>,
        tpu.vector_store %arg17[%swap3A_91], %broadcast_in_dim3A_12 {strides = array<i32>} : memref<2000xf32, #tpu.memory_space<vmem>>, vector<16xf32>,
        %mul3A_93 = arith.constant 16 : i32
        %mul3A_94 = arith.muli %scan3A_84, %mul3A_93 : i32
        %swap3A_95 = arith.index_cast %mul3A_94 : i32 to index
        %swap3A_96 = tpu.vector_load %arg18[%swap3A_95] {strides = array<i32>} : memref<2000xf32, #tpu.memory_space<vmem>>, vector<16xf32>,
        tpu.vector_store %arg18[%swap3A_95], %broadcast_in_dim3A_15 {strides = array<i32>} : memref<2000xf32, #tpu.memory_space<vmem>>, vector<16xf32>,
        %mul3A_97 = arith.constant 16 : i32
        %mul3A_98 = arith.muli %scan3A_84, %mul3A_97 : i32
        %swap3A_99 = arith.index_cast %mul3A_98 : i32 to index
        %swap3A_100 = tpu.vector_load %arg19[%swap3A_99] {strides = array<i32>} : memref<2000xf32, #tpu.memory_space<vmem>>, vector<16xf32>,
        tpu.vector_store %arg19[%swap3A_99], %broadcast_in_dim3A_18 {strides = array<i32>} : memref<2000xf32, #tpu.memory_space<vmem>>, vector<16xf32>,
        %scan3A_101 = arith.constant 3 : i32
        %scan3A_102 = arith.addi %scan3A_48, %scan3A_101 : i32
        %mul3A_103 = arith.constant 16 : i32
        %mul3A_104 = arith.muli %scan3A_102, %mul3A_103 : i32
        %swap3A_105 = arith.index_cast %mul3A_104 : i32 to index
        %swap3A_106 = tpu.vector_load %arg16[%swap3A_105] {strides = array<i32>} : memref<2000xf32, #tpu.memory_space<vmem>>, vector<16xf32>,
        tpu.vector_store %arg16[%swap3A_105], %broadcast_in_dim3A {strides = array<i32>} : memref<2000xf32, #tpu.memory_space<vmem>>, vector<16xf32>,
        %mul3A_107 = arith.constant 16 : i32
        %mul3A_108 = arith.muli %scan3A_102, %mul3A_107 : i32
        %swap3A_109 = arith.index_cast %mul3A_108 : i32 to index
        %swap3A_110 = tpu.vector_load %arg17[%swap3A_109] {strides = array<i32>} : memref<2000xf32, #tpu.memory_space<vmem>>, vector<16xf32>,
        tpu.vector_store %arg17[%swap3A_109], %broadcast_in_dim3A_12 {strides = array<i32>} : memref<2000xf32, #tpu.memory_space<vmem>>, vector<16xf32>,
        %mul3A_111 = arith.constant 16 : i32
        %mul3A_112 = arith.muli %scan3A_102, %mul3A_111 : i32
        %swap3A_113 = arith.index_cast %mul3A_112 : i32 to index
        %swap3A_114 = tpu.vector_load %arg18[%swap3A_113] {strides = array<i32>} : memref<2000xf32, #tpu.memory_space<vmem>>, vector<16xf32>,
        tpu.vector_store %arg18[%swap3A_113], %broadcast_in_dim3A_15 {strides = array<i32>} : memref<2000xf32, #tpu.memory_space<vmem>>, vector<16xf32>,
        %mul3A_115 = arith.constant 16 : i32
        %mul3A_116 = arith.muli %scan3A_102, %mul3A_115 : i32
        %swap3A_117 = arith.index_cast %mul3A_116 : i32 to index
        %swap3A_118 = tpu.vector_load %arg19[%swap3A_117] {strides = array<i32>} : memref<2000xf32, #tpu.memory_space<vmem>>, vector<16xf32>,
        tpu.vector_store %arg19[%swap3A_117], %broadcast_in_dim3A_18 {strides = array<i32>} : memref<2000xf32, #tpu.memory_space<vmem>>, vector<16xf32>,
      }
      %scan3A_23 = arith.constant 124 : i32
      %scan3A_24 = arith.addi %scan3A_19, %scan3A_23 : i32
      %mul3A_25 = arith.constant 16 : i32
      %mul3A_26 = arith.muli %scan3A_24, %mul3A_25 : i32
      %swap3A = arith.index_cast %mul3A_26 : i32 to index
      %swap3A_27 = tpu.vector_load %arg16[%swap3A] {strides = array<i32>} : memref<2000xf32, #tpu.memory_space<vmem>>, vector<16xf32>,
      tpu.vector_store %arg16[%swap3A], %broadcast_in_dim3A {strides = array<i32>} : memref<2000xf32, #tpu.memory_space<vmem>>, vector<16xf32>,
      %mul3A_28 = arith.constant 16 : i32
      %mul3A_29 = arith.muli %scan3A_24, %mul3A_28 : i32
      %swap3A_30 = arith.index_cast %mul3A_29 : i32 to index
      %swap3A_31 = tpu.vector_load %arg17[%swap3A_30] {strides = array<i32>} : memref<2000xf32, #tpu.memory_space<vmem>>, vector<16xf32>,
      tpu.vector_store %arg17[%swap3A_30], %broadcast_in_dim3A_12 {strides = array<i32>} : memref<2000xf32, #tpu.memory_space<vmem>>, vector<16xf32>,
      %mul3A_32 = arith.constant 16 : i32
      %mul3A_33 = arith.muli %scan3A_24, %mul3A_32 : i32
      %swap3A_34 = arith.index_cast %mul3A_33 : i32 to index
      %swap3A_35 = tpu.vector_load %arg18[%swap3A_34] {strides = array<i32>} : memref<2000xf32, #tpu.memory_space<vmem>>, vector<16xf32>,
      tpu.vector_store %arg18[%swap3A_34], %broadcast_in_dim3A_15 {strides = array<i32>} : memref<2000xf32, #tpu.memory_space<vmem>>, vector<16xf32>,
      %mul3A_36 = arith.constant 16 : i32
      %mul3A_37 = arith.muli %scan3A_24, %mul3A_36 : i32
      %swap3A_38 = arith.index_cast %mul3A_37 : i32 to index
      %swap3A_39 = tpu.vector_load %arg19[%swap3A_38] {strides = array<i32>} : memref<2000xf32, #tpu.memory_space<vmem>>, vector<16xf32>,
      tpu.vector_store %arg19[%swap3A_38], %broadcast_in_dim3A_18 {strides = array<i32>} : memref<2000xf32, #tpu.memory_space<vmem>>, vector<16xf32>,
      %scan3A_40 = arith.constant 125 : i32
      %scan3A_41 = arith.constant 0 : i32
      %scan3A_42 = arith.constant 0 : i32
      %scan3A_43 = arith.constant 376 : i32
      %scan3A_44 = arith.addi %scan3A_42, %scan3A_43 : i32
      %scan3A_45 = arith.constant 4 : i32
      %scan3A_46 = scf.for %scan3A_48 = %scan3A_42 to %scan3A_44 step %scan3A_45 iter_args(%scan3A_49 = %scan3A_41) -> (i32)  : i32 {
        %mul3A_50 = arith.constant 16 : i32
        %mul3A_51 = arith.muli %scan3A_48, %mul3A_50 : i32
        %get3A_52 = arith.index_cast %mul3A_51 : i32 to index
        %get3A_53 = tpu.vector_load %arg11[%get3A_52] {strides = array<i32>} : memref<6016xf32, #tpu.memory_space<vmem>>, vector<16xf32>,
        %gt3A = arith.constant 5.000000e-01 : f32
        %gt3A_54 = vector.broadcast %gt3A : f32 to vector<16xf32>
        %gt3A_55 = arith.cmpf ogt, %get3A_53, %gt3A_54 : vector<16xf32>
        %convert_element_type3A_56 = arith.extui %gt3A_55 : vector<16xi1> to vector<16xi32>
        %broadcast_in_dim3A_57 = arith.constant true
        %broadcast_in_dim3A_58 = vector.broadcast %broadcast_in_dim3A_57 : i1 to vector<16xi1>
        %masked_cumsum3A = tpu.scan <sum>, %convert_element_type3A_56 masked %broadcast_in_dim3A_58 : vector<16xi32>, vector<16xi1> -> vector<16xi32>
        %add3A_59 = vector.broadcast %scan3A_49 : i32 to vector<16xi32>
        %add3A_60 = arith.addi %add3A_59, %masked_cumsum3A : vector<16xi32>
        %sub3A = arith.constant 1 : i32
        %sub3A_61 = vector.broadcast %sub3A : i32 to vector<16xi32>
        %sub3A_62 = arith.subi %add3A_60, %sub3A_61 : vector<16xi32>
        %lt3A = arith.constant 2000 : i32
        %lt3A_63 = vector.broadcast %lt3A : i32 to vector<16xi32>
        %lt3A_64 = arith.cmpi slt, %sub3A_62, %lt3A_63 : vector<16xi32>
        %and3A = arith.andi %gt3A_55, %lt3A_64 : vector<16xi1>
        %max3A = arith.constant 0 : i32
        %max3A_65 = vector.broadcast %max3A : i32 to vector<16xi32>
        %max3A_66 = arith.maxsi %sub3A_62, %max3A_65 : vector<16xi32>
        %min3A = arith.constant 1999 : i32
        %min3A_67 = vector.broadcast %min3A : i32 to vector<16xi32>
        %min3A_68 = arith.minsi %max3A_66, %min3A_67 : vector<16xi32>
        %mul3A_69 = arith.constant 16 : i32
        %mul3A_70 = arith.muli %scan3A_48, %mul3A_69 : i32
        %get3A_71 = arith.index_cast %mul3A_70 : i32 to index
        %get3A_72 = tpu.vector_load %arg12[%get3A_71] {strides = array<i32>} : memref<6016xf32, #tpu.memory_space<vmem>>, vector<16xf32>,
        tpu.vector_store_idx %arg16[%min3A_68], %get3A_72 masked %and3A : memref<2000xf32, #tpu.memory_space<vmem>>[vector<16xi32>], vector<16xf32>, vector<16xi1>
        %mul3A_73 = arith.constant 16 : i32
        %mul3A_74 = arith.muli %scan3A_48, %mul3A_73 : i32
        %get3A_75 = arith.index_cast %mul3A_74 : i32 to index
        %get3A_76 = tpu.vector_load %arg13[%get3A_75] {strides = array<i32>} : memref<6016xf32, #tpu.memory_space<vmem>>, vector<16xf32>,
        tpu.vector_store_idx %arg17[%min3A_68], %get3A_76 masked %and3A : memref<2000xf32, #tpu.memory_space<vmem>>[vector<16xi32>], vector<16xf32>, vector<16xi1>
        %mul3A_77 = arith.constant 16 : i32
        %mul3A_78 = arith.muli %scan3A_48, %mul3A_77 : i32
        %get3A_79 = arith.index_cast %mul3A_78 : i32 to index
        %get3A_80 = tpu.vector_load %arg14[%get3A_79] {strides = array<i32>} : memref<6016xf32, #tpu.memory_space<vmem>>, vector<16xf32>,
        tpu.vector_store_idx %arg18[%min3A_68], %get3A_80 masked %and3A : memref<2000xf32, #tpu.memory_space<vmem>>[vector<16xi32>], vector<16xf32>, vector<16xi1>
        %mul3A_81 = arith.constant 16 : i32
        %mul3A_82 = arith.muli %scan3A_48, %mul3A_81 : i32
        %get3A_83 = arith.index_cast %mul3A_82 : i32 to index
        %get3A_84 = tpu.vector_load %arg15[%get3A_83] {strides = array<i32>} : memref<6016xf32, #tpu.memory_space<vmem>>, vector<16xf32>,
        tpu.vector_store_idx %arg19[%min3A_68], %get3A_84 masked %and3A : memref<2000xf32, #tpu.memory_space<vmem>>[vector<16xi32>], vector<16xf32>, vector<16xi1>
        %reduce_sum3A = arith.constant true
        %reduce_sum3A_85 = vector.broadcast %reduce_sum3A : i1 to vector<16xi1>
        %reduce_sum3A_86 = tpu.scan <sum>, %convert_element_type3A_56 masked %reduce_sum3A_85 : vector<16xi32>, vector<16xi1> -> vector<16xi32>
        %reduce_sum3A_87 = vector.extract %reduce_sum3A_86[15] : i32 from vector<16xi32>
        %add3A_88 = arith.addi %scan3A_49, %reduce_sum3A_87 : i32
        %scan3A_89 = arith.constant 1 : i32
        %scan3A_90 = arith.addi %scan3A_48, %scan3A_89 : i32
        %mul3A_91 = arith.constant 16 : i32
        %mul3A_92 = arith.muli %scan3A_90, %mul3A_91 : i32
        %get3A_93 = arith.index_cast %mul3A_92 : i32 to index
        %get3A_94 = tpu.vector_load %arg11[%get3A_93] {strides = array<i32>} : memref<6016xf32, #tpu.memory_space<vmem>>, vector<16xf32>,
        %gt3A_95 = arith.constant 5.000000e-01 : f32
        %gt3A_96 = vector.broadcast %gt3A_95 : f32 to vector<16xf32>
        %gt3A_97 = arith.cmpf ogt, %get3A_94, %gt3A_96 : vector<16xf32>
        %convert_element_type3A_98 = arith.extui %gt3A_97 : vector<16xi1> to vector<16xi32>
        %broadcast_in_dim3A_99 = arith.constant true
        %broadcast_in_dim3A_100 = vector.broadcast %broadcast_in_dim3A_99 : i1 to vector<16xi1>
        %masked_cumsum3A_101 = tpu.scan <sum>, %convert_element_type3A_98 masked %broadcast_in_dim3A_100 : vector<16xi32>, vector<16xi1> -> vector<16xi32>
        %add3A_102 = vector.broadcast %add3A_88 : i32 to vector<16xi32>
        %add3A_103 = arith.addi %add3A_102, %masked_cumsum3A_101 : vector<16xi32>
        %sub3A_104 = arith.constant 1 : i32
        %sub3A_105 = vector.broadcast %sub3A_104 : i32 to vector<16xi32>
        %sub3A_106 = arith.subi %add3A_103, %sub3A_105 : vector<16xi32>
        %lt3A_107 = arith.constant 2000 : i32
        %lt3A_108 = vector.broadcast %lt3A_107 : i32 to vector<16xi32>
        %lt3A_109 = arith.cmpi slt, %sub3A_106, %lt3A_108 : vector<16xi32>
        %and3A_110 = arith.andi %gt3A_97, %lt3A_109 : vector<16xi1>
        %max3A_111 = arith.constant 0 : i32
        %max3A_112 = vector.broadcast %max3A_111 : i32 to vector<16xi32>
        %max3A_113 = arith.maxsi %sub3A_106, %max3A_112 : vector<16xi32>
        %min3A_114 = arith.constant 1999 : i32
        %min3A_115 = vector.broadcast %min3A_114 : i32 to vector<16xi32>
        %min3A_116 = arith.minsi %max3A_113, %min3A_115 : vector<16xi32>
        %mul3A_117 = arith.constant 16 : i32
        %mul3A_118 = arith.muli %scan3A_90, %mul3A_117 : i32
        %get3A_119 = arith.index_cast %mul3A_118 : i32 to index
        %get3A_120 = tpu.vector_load %arg12[%get3A_119] {strides = array<i32>} : memref<6016xf32, #tpu.memory_space<vmem>>, vector<16xf32>,
        tpu.vector_store_idx %arg16[%min3A_116], %get3A_120 masked %and3A_110 : memref<2000xf32, #tpu.memory_space<vmem>>[vector<16xi32>], vector<16xf32>, vector<16xi1>
        %mul3A_121 = arith.constant 16 : i32
        %mul3A_122 = arith.muli %scan3A_90, %mul3A_121 : i32
        %get3A_123 = arith.index_cast %mul3A_122 : i32 to index
        %get3A_124 = tpu.vector_load %arg13[%get3A_123] {strides = array<i32>} : memref<6016xf32, #tpu.memory_space<vmem>>, vector<16xf32>,
        tpu.vector_store_idx %arg17[%min3A_116], %get3A_124 masked %and3A_110 : memref<2000xf32, #tpu.memory_space<vmem>>[vector<16xi32>], vector<16xf32>, vector<16xi1>
        %mul3A_125 = arith.constant 16 : i32
        %mul3A_126 = arith.muli %scan3A_90, %mul3A_125 : i32
        %get3A_127 = arith.index_cast %mul3A_126 : i32 to index
        %get3A_128 = tpu.vector_load %arg14[%get3A_127] {strides = array<i32>} : memref<6016xf32, #tpu.memory_space<vmem>>, vector<16xf32>,
        tpu.vector_store_idx %arg18[%min3A_116], %get3A_128 masked %and3A_110 : memref<2000xf32, #tpu.memory_space<vmem>>[vector<16xi32>], vector<16xf32>, vector<16xi1>
        %mul3A_129 = arith.constant 16 : i32
        %mul3A_130 = arith.muli %scan3A_90, %mul3A_129 : i32
        %get3A_131 = arith.index_cast %mul3A_130 : i32 to index
        %get3A_132 = tpu.vector_load %arg15[%get3A_131] {strides = array<i32>} : memref<6016xf32, #tpu.memory_space<vmem>>, vector<16xf32>,
        tpu.vector_store_idx %arg19[%min3A_116], %get3A_132 masked %and3A_110 : memref<2000xf32, #tpu.memory_space<vmem>>[vector<16xi32>], vector<16xf32>, vector<16xi1>
        %reduce_sum3A_133 = arith.constant true
        %reduce_sum3A_134 = vector.broadcast %reduce_sum3A_133 : i1 to vector<16xi1>
        %reduce_sum3A_135 = tpu.scan <sum>, %convert_element_type3A_98 masked %reduce_sum3A_134 : vector<16xi32>, vector<16xi1> -> vector<16xi32>
        %reduce_sum3A_136 = vector.extract %reduce_sum3A_135[15] : i32 from vector<16xi32>
        %add3A_137 = arith.addi %add3A_88, %reduce_sum3A_136 : i32
        %scan3A_138 = arith.constant 2 : i32
        %scan3A_139 = arith.addi %scan3A_48, %scan3A_138 : i32
        %mul3A_140 = arith.constant 16 : i32
        %mul3A_141 = arith.muli %scan3A_139, %mul3A_140 : i32
        %get3A_142 = arith.index_cast %mul3A_141 : i32 to index
        %get3A_143 = tpu.vector_load %arg11[%get3A_142] {strides = array<i32>} : memref<6016xf32, #tpu.memory_space<vmem>>, vector<16xf32>,
        %gt3A_144 = arith.constant 5.000000e-01 : f32
        %gt3A_145 = vector.broadcast %gt3A_144 : f32 to vector<16xf32>
        %gt3A_146 = arith.cmpf ogt, %get3A_143, %gt3A_145 : vector<16xf32>
        %convert_element_type3A_147 = arith.extui %gt3A_146 : vector<16xi1> to vector<16xi32>
        %broadcast_in_dim3A_148 = arith.constant true
        %broadcast_in_dim3A_149 = vector.broadcast %broadcast_in_dim3A_148 : i1 to vector<16xi1>
        %masked_cumsum3A_150 = tpu.scan <sum>, %convert_element_type3A_147 masked %broadcast_in_dim3A_149 : vector<16xi32>, vector<16xi1> -> vector<16xi32>
        %add3A_151 = vector.broadcast %add3A_137 : i32 to vector<16xi32>
        %add3A_152 = arith.addi %add3A_151, %masked_cumsum3A_150 : vector<16xi32>
        %sub3A_153 = arith.constant 1 : i32
        %sub3A_154 = vector.broadcast %sub3A_153 : i32 to vector<16xi32>
        %sub3A_155 = arith.subi %add3A_152, %sub3A_154 : vector<16xi32>
        %lt3A_156 = arith.constant 2000 : i32
        %lt3A_157 = vector.broadcast %lt3A_156 : i32 to vector<16xi32>
        %lt3A_158 = arith.cmpi slt, %sub3A_155, %lt3A_157 : vector<16xi32>
        %and3A_159 = arith.andi %gt3A_146, %lt3A_158 : vector<16xi1>
        %max3A_160 = arith.constant 0 : i32
        %max3A_161 = vector.broadcast %max3A_160 : i32 to vector<16xi32>
        %max3A_162 = arith.maxsi %sub3A_155, %max3A_161 : vector<16xi32>
        %min3A_163 = arith.constant 1999 : i32
        %min3A_164 = vector.broadcast %min3A_163 : i32 to vector<16xi32>
        %min3A_165 = arith.minsi %max3A_162, %min3A_164 : vector<16xi32>
        %mul3A_166 = arith.constant 16 : i32
        %mul3A_167 = arith.muli %scan3A_139, %mul3A_166 : i32
        %get3A_168 = arith.index_cast %mul3A_167 : i32 to index
        %get3A_169 = tpu.vector_load %arg12[%get3A_168] {strides = array<i32>} : memref<6016xf32, #tpu.memory_space<vmem>>, vector<16xf32>,
        tpu.vector_store_idx %arg16[%min3A_165], %get3A_169 masked %and3A_159 : memref<2000xf32, #tpu.memory_space<vmem>>[vector<16xi32>], vector<16xf32>, vector<16xi1>
        %mul3A_170 = arith.constant 16 : i32
        %mul3A_171 = arith.muli %scan3A_139, %mul3A_170 : i32
        %get3A_172 = arith.index_cast %mul3A_171 : i32 to index
        %get3A_173 = tpu.vector_load %arg13[%get3A_172] {strides = array<i32>} : memref<6016xf32, #tpu.memory_space<vmem>>, vector<16xf32>,
        tpu.vector_store_idx %arg17[%min3A_165], %get3A_173 masked %and3A_159 : memref<2000xf32, #tpu.memory_space<vmem>>[vector<16xi32>], vector<16xf32>, vector<16xi1>
        %mul3A_174 = arith.constant 16 : i32
        %mul3A_175 = arith.muli %scan3A_139, %mul3A_174 : i32
        %get3A_176 = arith.index_cast %mul3A_175 : i32 to index
        %get3A_177 = tpu.vector_load %arg14[%get3A_176] {strides = array<i32>} : memref<6016xf32, #tpu.memory_space<vmem>>, vector<16xf32>,
        tpu.vector_store_idx %arg18[%min3A_165], %get3A_177 masked %and3A_159 : memref<2000xf32, #tpu.memory_space<vmem>>[vector<16xi32>], vector<16xf32>, vector<16xi1>
        %mul3A_178 = arith.constant 16 : i32
        %mul3A_179 = arith.muli %scan3A_139, %mul3A_178 : i32
        %get3A_180 = arith.index_cast %mul3A_179 : i32 to index
        %get3A_181 = tpu.vector_load %arg15[%get3A_180] {strides = array<i32>} : memref<6016xf32, #tpu.memory_space<vmem>>, vector<16xf32>,
        tpu.vector_store_idx %arg19[%min3A_165], %get3A_181 masked %and3A_159 : memref<2000xf32, #tpu.memory_space<vmem>>[vector<16xi32>], vector<16xf32>, vector<16xi1>
        %reduce_sum3A_182 = arith.constant true
        %reduce_sum3A_183 = vector.broadcast %reduce_sum3A_182 : i1 to vector<16xi1>
        %reduce_sum3A_184 = tpu.scan <sum>, %convert_element_type3A_147 masked %reduce_sum3A_183 : vector<16xi32>, vector<16xi1> -> vector<16xi32>
        %reduce_sum3A_185 = vector.extract %reduce_sum3A_184[15] : i32 from vector<16xi32>
        %add3A_186 = arith.addi %add3A_137, %reduce_sum3A_185 : i32
        %scan3A_187 = arith.constant 3 : i32
        %scan3A_188 = arith.addi %scan3A_48, %scan3A_187 : i32
        %mul3A_189 = arith.constant 16 : i32
        %mul3A_190 = arith.muli %scan3A_188, %mul3A_189 : i32
        %get3A_191 = arith.index_cast %mul3A_190 : i32 to index
        %get3A_192 = tpu.vector_load %arg11[%get3A_191] {strides = array<i32>} : memref<6016xf32, #tpu.memory_space<vmem>>, vector<16xf32>,
        %gt3A_193 = arith.constant 5.000000e-01 : f32
        %gt3A_194 = vector.broadcast %gt3A_193 : f32 to vector<16xf32>
        %gt3A_195 = arith.cmpf ogt, %get3A_192, %gt3A_194 : vector<16xf32>
        %convert_element_type3A_196 = arith.extui %gt3A_195 : vector<16xi1> to vector<16xi32>
        %broadcast_in_dim3A_197 = arith.constant true
        %broadcast_in_dim3A_198 = vector.broadcast %broadcast_in_dim3A_197 : i1 to vector<16xi1>
        %masked_cumsum3A_199 = tpu.scan <sum>, %convert_element_type3A_196 masked %broadcast_in_dim3A_198 : vector<16xi32>, vector<16xi1> -> vector<16xi32>
        %add3A_200 = vector.broadcast %add3A_186 : i32 to vector<16xi32>
        %add3A_201 = arith.addi %add3A_200, %masked_cumsum3A_199 : vector<16xi32>
        %sub3A_202 = arith.constant 1 : i32
        %sub3A_203 = vector.broadcast %sub3A_202 : i32 to vector<16xi32>
        %sub3A_204 = arith.subi %add3A_201, %sub3A_203 : vector<16xi32>
        %lt3A_205 = arith.constant 2000 : i32
        %lt3A_206 = vector.broadcast %lt3A_205 : i32 to vector<16xi32>
        %lt3A_207 = arith.cmpi slt, %sub3A_204, %lt3A_206 : vector<16xi32>
        %and3A_208 = arith.andi %gt3A_195, %lt3A_207 : vector<16xi1>
        %max3A_209 = arith.constant 0 : i32
        %max3A_210 = vector.broadcast %max3A_209 : i32 to vector<16xi32>
        %max3A_211 = arith.maxsi %sub3A_204, %max3A_210 : vector<16xi32>
        %min3A_212 = arith.constant 1999 : i32
        %min3A_213 = vector.broadcast %min3A_212 : i32 to vector<16xi32>
        %min3A_214 = arith.minsi %max3A_211, %min3A_213 : vector<16xi32>
        %mul3A_215 = arith.constant 16 : i32
        %mul3A_216 = arith.muli %scan3A_188, %mul3A_215 : i32
        %get3A_217 = arith.index_cast %mul3A_216 : i32 to index
        %get3A_218 = tpu.vector_load %arg12[%get3A_217] {strides = array<i32>} : memref<6016xf32, #tpu.memory_space<vmem>>, vector<16xf32>,
        tpu.vector_store_idx %arg16[%min3A_214], %get3A_218 masked %and3A_208 : memref<2000xf32, #tpu.memory_space<vmem>>[vector<16xi32>], vector<16xf32>, vector<16xi1>
        %mul3A_219 = arith.constant 16 : i32
        %mul3A_220 = arith.muli %scan3A_188, %mul3A_219 : i32
        %get3A_221 = arith.index_cast %mul3A_220 : i32 to index
        %get3A_222 = tpu.vector_load %arg13[%get3A_221] {strides = array<i32>} : memref<6016xf32, #tpu.memory_space<vmem>>, vector<16xf32>,
        tpu.vector_store_idx %arg17[%min3A_214], %get3A_222 masked %and3A_208 : memref<2000xf32, #tpu.memory_space<vmem>>[vector<16xi32>], vector<16xf32>, vector<16xi1>
        %mul3A_223 = arith.constant 16 : i32
        %mul3A_224 = arith.muli %scan3A_188, %mul3A_223 : i32
        %get3A_225 = arith.index_cast %mul3A_224 : i32 to index
        %get3A_226 = tpu.vector_load %arg14[%get3A_225] {strides = array<i32>} : memref<6016xf32, #tpu.memory_space<vmem>>, vector<16xf32>,
        tpu.vector_store_idx %arg18[%min3A_214], %get3A_226 masked %and3A_208 : memref<2000xf32, #tpu.memory_space<vmem>>[vector<16xi32>], vector<16xf32>, vector<16xi1>
        %mul3A_227 = arith.constant 16 : i32
        %mul3A_228 = arith.muli %scan3A_188, %mul3A_227 : i32
        %get3A_229 = arith.index_cast %mul3A_228 : i32 to index
        %get3A_230 = tpu.vector_load %arg15[%get3A_229] {strides = array<i32>} : memref<6016xf32, #tpu.memory_space<vmem>>, vector<16xf32>,
        tpu.vector_store_idx %arg19[%min3A_214], %get3A_230 masked %and3A_208 : memref<2000xf32, #tpu.memory_space<vmem>>[vector<16xi32>], vector<16xf32>, vector<16xi1>
        %reduce_sum3A_231 = arith.constant true
        %reduce_sum3A_232 = vector.broadcast %reduce_sum3A_231 : i1 to vector<16xi1>
        %reduce_sum3A_233 = tpu.scan <sum>, %convert_element_type3A_196 masked %reduce_sum3A_232 : vector<16xi32>, vector<16xi1> -> vector<16xi32>
        %reduce_sum3A_234 = vector.extract %reduce_sum3A_233[15] : i32 from vector<16xi32>
        %add3A_235 = arith.addi %add3A_186, %reduce_sum3A_234 : i32
        scf.yield %add3A_235 : i32
      }
      %scan3A_47 = arith.constant 376 : i32
      "tpu.region"() ({
        %run_scoped3A = tpu.sem_alloc : memref<!tpu.dma_semaphore, #tpu.memory_space<semaphore_mem>>
        tpu.enqueue_dma source(%arg16 : memref<2000xf32, #tpu.memory_space<vmem>>) target(%arg7 : memref<2000xf32, #tpu.memory_space<hbm>>) target_semaphore(%run_scoped3A : memref<!tpu.dma_semaphore, #tpu.memory_space<semaphore_mem>>)
        tpu.wait_dma2 semaphore(%run_scoped3A : memref<!tpu.dma_semaphore, #tpu.memory_space<semaphore_mem>>) src(%arg16 : memref<2000xf32, #tpu.memory_space<vmem>>) dst(%arg7 : memref<2000xf32, #tpu.memory_space<hbm>>)
        tpu.yield
      }) : () -> ()
      "tpu.region"() ({
        %run_scoped3A = tpu.sem_alloc : memref<!tpu.dma_semaphore, #tpu.memory_space<semaphore_mem>>
        tpu.enqueue_dma source(%arg17 : memref<2000xf32, #tpu.memory_space<vmem>>) target(%arg8 : memref<2000xf32, #tpu.memory_space<hbm>>) target_semaphore(%run_scoped3A : memref<!tpu.dma_semaphore, #tpu.memory_space<semaphore_mem>>)
        tpu.wait_dma2 semaphore(%run_scoped3A : memref<!tpu.dma_semaphore, #tpu.memory_space<semaphore_mem>>) src(%arg17 : memref<2000xf32, #tpu.memory_space<vmem>>) dst(%arg8 : memref<2000xf32, #tpu.memory_space<hbm>>)
        tpu.yield
      }) : () -> ()
      "tpu.region"() ({
        %run_scoped3A = tpu.sem_alloc : memref<!tpu.dma_semaphore, #tpu.memory_space<semaphore_mem>>
        tpu.enqueue_dma source(%arg18 : memref<2000xf32, #tpu.memory_space<vmem>>) target(%arg9 : memref<2000xf32, #tpu.memory_space<hbm>>) target_semaphore(%run_scoped3A : memref<!tpu.dma_semaphore, #tpu.memory_space<semaphore_mem>>)
        tpu.wait_dma2 semaphore(%run_scoped3A : memref<!tpu.dma_semaphore, #tpu.memory_space<semaphore_mem>>) src(%arg18 : memref<2000xf32, #tpu.memory_space<vmem>>) dst(%arg9 : memref<2000xf32, #tpu.memory_space<hbm>>)
        tpu.yield
      }) : () -> ()
      "tpu.region"() ({
        %run_scoped3A = tpu.sem_alloc : memref<!tpu.dma_semaphore, #tpu.memory_space<semaphore_mem>>
        tpu.enqueue_dma source(%arg19 : memref<2000xf32, #tpu.memory_space<vmem>>) target(%arg10 : memref<2000xf32, #tpu.memory_space<hbm>>) target_semaphore(%run_scoped3A : memref<!tpu.dma_semaphore, #tpu.memory_space<semaphore_mem>>)
        tpu.wait_dma2 semaphore(%run_scoped3A : memref<!tpu.dma_semaphore, #tpu.memory_space<semaphore_mem>>) src(%arg19 : memref<2000xf32, #tpu.memory_space<vmem>>) dst(%arg10 : memref<2000xf32, #tpu.memory_space<hbm>>)
        tpu.yield
      }) : () -> ()
    } else {
    }
    return
  }
}

#map = affine_map<(d0, d1) -> (0)>
module attributes {stable_mosaic.version = 14 : i64} {
  func.func @_k3(%arg0: i32, %arg1: i32, %arg2: memref<10368xi32, #tpu.memory_space<hbm>>, %arg3: memref<10368xf32, #tpu.memory_space<hbm>>, %arg4: memref<10368xf32, #tpu.memory_space<hbm>>, %arg5: memref<10368xf32, #tpu.memory_space<hbm>>, %arg6: memref<10368xf32, #tpu.memory_space<hbm>>, %arg7: memref<6016xf32, #tpu.memory_space<hbm>>, %arg8: memref<6016xf32, #tpu.memory_space<hbm>>, %arg9: memref<6016xf32, #tpu.memory_space<hbm>>, %arg10: memref<6016xf32, #tpu.memory_space<hbm>>, %arg11: memref<10368xi32, #tpu.memory_space<vmem>>, %arg12: memref<10368xf32, #tpu.memory_space<vmem>>, %arg13: memref<10368xf32, #tpu.memory_space<vmem>>, %arg14: memref<10368xf32, #tpu.memory_space<vmem>>, %arg15: memref<10368xf32, #tpu.memory_space<vmem>>, %arg16: memref<6016xf32, #tpu.memory_space<vmem>>, %arg17: memref<6016xf32, #tpu.memory_space<vmem>>, %arg18: memref<6016xf32, #tpu.memory_space<vmem>>, %arg19: memref<6016xf32, #tpu.memory_space<vmem>>) attributes {dimension_semantics = [#tpu.dimension_semantics<core_parallel>, #tpu.dimension_semantics<subcore_parallel>], iteration_bounds = array<i64: 2, 16>, scalar_prefetch = 0 : i64, scratch_operands = 9 : i64, tpu.core_type = #tpu.core_type<sc_vector_subcore>, window_params = [{transform_indices = #map}, {transform_indices = #map}, {transform_indices = #map}, {transform_indices = #map}, {transform_indices = #map}, {transform_indices = #map}, {transform_indices = #map}, {transform_indices = #map}, {transform_indices = #map}]} {
    %mul3A = arith.constant 2 : i32
    %mul3A_0 = arith.muli %arg1, %mul3A : i32
    %add3A = arith.addi %mul3A_0, %arg0 : i32
    %eq3A = arith.constant 0 : i32
    %eq3A_1 = arith.cmpi eq, %add3A, %eq3A : i32
    %convert_element_type3A = arith.extui %eq3A_1 : i1 to i32
    %cond3A = arith.constant 0 : i32
    %cond3A_2 = arith.cmpi ne, %convert_element_type3A, %cond3A : i32
    scf.if %cond3A_2 {
      "tpu.region"() ({
        %run_scoped3A = tpu.sem_alloc : memref<!tpu.dma_semaphore, #tpu.memory_space<semaphore_mem>>
        tpu.enqueue_dma source(%arg2 : memref<10368xi32, #tpu.memory_space<hbm>>) target(%arg11 : memref<10368xi32, #tpu.memory_space<vmem>>) target_semaphore(%run_scoped3A : memref<!tpu.dma_semaphore, #tpu.memory_space<semaphore_mem>>)
        tpu.wait_dma2 semaphore(%run_scoped3A : memref<!tpu.dma_semaphore, #tpu.memory_space<semaphore_mem>>) src(%arg2 : memref<10368xi32, #tpu.memory_space<hbm>>) dst(%arg11 : memref<10368xi32, #tpu.memory_space<vmem>>)
        tpu.yield
      }) : () -> ()
      "tpu.region"() ({
        %run_scoped3A = tpu.sem_alloc : memref<!tpu.dma_semaphore, #tpu.memory_space<semaphore_mem>>
        tpu.enqueue_dma source(%arg3 : memref<10368xf32, #tpu.memory_space<hbm>>) target(%arg12 : memref<10368xf32, #tpu.memory_space<vmem>>) target_semaphore(%run_scoped3A : memref<!tpu.dma_semaphore, #tpu.memory_space<semaphore_mem>>)
        tpu.wait_dma2 semaphore(%run_scoped3A : memref<!tpu.dma_semaphore, #tpu.memory_space<semaphore_mem>>) src(%arg3 : memref<10368xf32, #tpu.memory_space<hbm>>) dst(%arg12 : memref<10368xf32, #tpu.memory_space<vmem>>)
        tpu.yield
      }) : () -> ()
      "tpu.region"() ({
        %run_scoped3A = tpu.sem_alloc : memref<!tpu.dma_semaphore, #tpu.memory_space<semaphore_mem>>
        tpu.enqueue_dma source(%arg4 : memref<10368xf32, #tpu.memory_space<hbm>>) target(%arg13 : memref<10368xf32, #tpu.memory_space<vmem>>) target_semaphore(%run_scoped3A : memref<!tpu.dma_semaphore, #tpu.memory_space<semaphore_mem>>)
        tpu.wait_dma2 semaphore(%run_scoped3A : memref<!tpu.dma_semaphore, #tpu.memory_space<semaphore_mem>>) src(%arg4 : memref<10368xf32, #tpu.memory_space<hbm>>) dst(%arg13 : memref<10368xf32, #tpu.memory_space<vmem>>)
        tpu.yield
      }) : () -> ()
      "tpu.region"() ({
        %run_scoped3A = tpu.sem_alloc : memref<!tpu.dma_semaphore, #tpu.memory_space<semaphore_mem>>
        tpu.enqueue_dma source(%arg5 : memref<10368xf32, #tpu.memory_space<hbm>>) target(%arg14 : memref<10368xf32, #tpu.memory_space<vmem>>) target_semaphore(%run_scoped3A : memref<!tpu.dma_semaphore, #tpu.memory_space<semaphore_mem>>)
        tpu.wait_dma2 semaphore(%run_scoped3A : memref<!tpu.dma_semaphore, #tpu.memory_space<semaphore_mem>>) src(%arg5 : memref<10368xf32, #tpu.memory_space<hbm>>) dst(%arg14 : memref<10368xf32, #tpu.memory_space<vmem>>)
        tpu.yield
      }) : () -> ()
      "tpu.region"() ({
        %run_scoped3A = tpu.sem_alloc : memref<!tpu.dma_semaphore, #tpu.memory_space<semaphore_mem>>
        tpu.enqueue_dma source(%arg6 : memref<10368xf32, #tpu.memory_space<hbm>>) target(%arg15 : memref<10368xf32, #tpu.memory_space<vmem>>) target_semaphore(%run_scoped3A : memref<!tpu.dma_semaphore, #tpu.memory_space<semaphore_mem>>)
        tpu.wait_dma2 semaphore(%run_scoped3A : memref<!tpu.dma_semaphore, #tpu.memory_space<semaphore_mem>>) src(%arg6 : memref<10368xf32, #tpu.memory_space<hbm>>) dst(%arg15 : memref<10368xf32, #tpu.memory_space<vmem>>)
        tpu.yield
      }) : () -> ()
      %scan3A = arith.constant 0 : i32
      %scan3A_3 = arith.constant 0 : i32
      %scan3A_4 = arith.constant 648 : i32
      %scan3A_5 = arith.addi %scan3A_3, %scan3A_4 : i32
      %scan3A_6 = arith.constant 4 : i32
      scf.for %scan3A_8 = %scan3A_3 to %scan3A_5 step %scan3A_6  : i32 {
        %mul3A_9 = arith.constant 16 : i32
        %mul3A_10 = arith.muli %scan3A_8, %mul3A_9 : i32
        %get3A = arith.index_cast %mul3A_10 : i32 to index
        %get3A_11 = tpu.vector_load %arg11[%get3A] {strides = array<i32>} : memref<10368xi32, #tpu.memory_space<vmem>>, vector<16xi32>,
        %lt3A = arith.constant 6016 : i32
        %lt3A_12 = vector.broadcast %lt3A : i32 to vector<16xi32>
        %lt3A_13 = arith.cmpi slt, %get3A_11, %lt3A_12 : vector<16xi32>
        %min3A = arith.constant 6015 : i32
        %min3A_14 = vector.broadcast %min3A : i32 to vector<16xi32>
        %min3A_15 = arith.minsi %get3A_11, %min3A_14 : vector<16xi32>
        %mul3A_16 = arith.constant 16 : i32
        %mul3A_17 = arith.muli %scan3A_8, %mul3A_16 : i32
        %get3A_18 = arith.index_cast %mul3A_17 : i32 to index
        %get3A_19 = tpu.vector_load %arg12[%get3A_18] {strides = array<i32>} : memref<10368xf32, #tpu.memory_space<vmem>>, vector<16xf32>,
        tpu.vector_store_idx %arg16[%min3A_15], %get3A_19 masked %lt3A_13 : memref<6016xf32, #tpu.memory_space<vmem>>[vector<16xi32>], vector<16xf32>, vector<16xi1>
        %mul3A_20 = arith.constant 16 : i32
        %mul3A_21 = arith.muli %scan3A_8, %mul3A_20 : i32
        %get3A_22 = arith.index_cast %mul3A_21 : i32 to index
        %get3A_23 = tpu.vector_load %arg13[%get3A_22] {strides = array<i32>} : memref<10368xf32, #tpu.memory_space<vmem>>, vector<16xf32>,
        tpu.vector_store_idx %arg17[%min3A_15], %get3A_23 masked %lt3A_13 : memref<6016xf32, #tpu.memory_space<vmem>>[vector<16xi32>], vector<16xf32>, vector<16xi1>
        %mul3A_24 = arith.constant 16 : i32
        %mul3A_25 = arith.muli %scan3A_8, %mul3A_24 : i32
        %get3A_26 = arith.index_cast %mul3A_25 : i32 to index
        %get3A_27 = tpu.vector_load %arg14[%get3A_26] {strides = array<i32>} : memref<10368xf32, #tpu.memory_space<vmem>>, vector<16xf32>,
        tpu.vector_store_idx %arg18[%min3A_15], %get3A_27 masked %lt3A_13 : memref<6016xf32, #tpu.memory_space<vmem>>[vector<16xi32>], vector<16xf32>, vector<16xi1>
        %mul3A_28 = arith.constant 16 : i32
        %mul3A_29 = arith.muli %scan3A_8, %mul3A_28 : i32
        %get3A_30 = arith.index_cast %mul3A_29 : i32 to index
        %get3A_31 = tpu.vector_load %arg15[%get3A_30] {strides = array<i32>} : memref<10368xf32, #tpu.memory_space<vmem>>, vector<16xf32>,
        tpu.vector_store_idx %arg19[%min3A_15], %get3A_31 masked %lt3A_13 : memref<6016xf32, #tpu.memory_space<vmem>>[vector<16xi32>], vector<16xf32>, vector<16xi1>
        %scan3A_32 = arith.constant 1 : i32
        %scan3A_33 = arith.addi %scan3A_8, %scan3A_32 : i32
        %mul3A_34 = arith.constant 16 : i32
        %mul3A_35 = arith.muli %scan3A_33, %mul3A_34 : i32
        %get3A_36 = arith.index_cast %mul3A_35 : i32 to index
        %get3A_37 = tpu.vector_load %arg11[%get3A_36] {strides = array<i32>} : memref<10368xi32, #tpu.memory_space<vmem>>, vector<16xi32>,
        %lt3A_38 = arith.constant 6016 : i32
        %lt3A_39 = vector.broadcast %lt3A_38 : i32 to vector<16xi32>
        %lt3A_40 = arith.cmpi slt, %get3A_37, %lt3A_39 : vector<16xi32>
        %min3A_41 = arith.constant 6015 : i32
        %min3A_42 = vector.broadcast %min3A_41 : i32 to vector<16xi32>
        %min3A_43 = arith.minsi %get3A_37, %min3A_42 : vector<16xi32>
        %mul3A_44 = arith.constant 16 : i32
        %mul3A_45 = arith.muli %scan3A_33, %mul3A_44 : i32
        %get3A_46 = arith.index_cast %mul3A_45 : i32 to index
        %get3A_47 = tpu.vector_load %arg12[%get3A_46] {strides = array<i32>} : memref<10368xf32, #tpu.memory_space<vmem>>, vector<16xf32>,
        tpu.vector_store_idx %arg16[%min3A_43], %get3A_47 masked %lt3A_40 : memref<6016xf32, #tpu.memory_space<vmem>>[vector<16xi32>], vector<16xf32>, vector<16xi1>
        %mul3A_48 = arith.constant 16 : i32
        %mul3A_49 = arith.muli %scan3A_33, %mul3A_48 : i32
        %get3A_50 = arith.index_cast %mul3A_49 : i32 to index
        %get3A_51 = tpu.vector_load %arg13[%get3A_50] {strides = array<i32>} : memref<10368xf32, #tpu.memory_space<vmem>>, vector<16xf32>,
        tpu.vector_store_idx %arg17[%min3A_43], %get3A_51 masked %lt3A_40 : memref<6016xf32, #tpu.memory_space<vmem>>[vector<16xi32>], vector<16xf32>, vector<16xi1>
        %mul3A_52 = arith.constant 16 : i32
        %mul3A_53 = arith.muli %scan3A_33, %mul3A_52 : i32
        %get3A_54 = arith.index_cast %mul3A_53 : i32 to index
        %get3A_55 = tpu.vector_load %arg14[%get3A_54] {strides = array<i32>} : memref<10368xf32, #tpu.memory_space<vmem>>, vector<16xf32>,
        tpu.vector_store_idx %arg18[%min3A_43], %get3A_55 masked %lt3A_40 : memref<6016xf32, #tpu.memory_space<vmem>>[vector<16xi32>], vector<16xf32>, vector<16xi1>
        %mul3A_56 = arith.constant 16 : i32
        %mul3A_57 = arith.muli %scan3A_33, %mul3A_56 : i32
        %get3A_58 = arith.index_cast %mul3A_57 : i32 to index
        %get3A_59 = tpu.vector_load %arg15[%get3A_58] {strides = array<i32>} : memref<10368xf32, #tpu.memory_space<vmem>>, vector<16xf32>,
        tpu.vector_store_idx %arg19[%min3A_43], %get3A_59 masked %lt3A_40 : memref<6016xf32, #tpu.memory_space<vmem>>[vector<16xi32>], vector<16xf32>, vector<16xi1>
        %scan3A_60 = arith.constant 2 : i32
        %scan3A_61 = arith.addi %scan3A_8, %scan3A_60 : i32
        %mul3A_62 = arith.constant 16 : i32
        %mul3A_63 = arith.muli %scan3A_61, %mul3A_62 : i32
        %get3A_64 = arith.index_cast %mul3A_63 : i32 to index
        %get3A_65 = tpu.vector_load %arg11[%get3A_64] {strides = array<i32>} : memref<10368xi32, #tpu.memory_space<vmem>>, vector<16xi32>,
        %lt3A_66 = arith.constant 6016 : i32
        %lt3A_67 = vector.broadcast %lt3A_66 : i32 to vector<16xi32>
        %lt3A_68 = arith.cmpi slt, %get3A_65, %lt3A_67 : vector<16xi32>
        %min3A_69 = arith.constant 6015 : i32
        %min3A_70 = vector.broadcast %min3A_69 : i32 to vector<16xi32>
        %min3A_71 = arith.minsi %get3A_65, %min3A_70 : vector<16xi32>
        %mul3A_72 = arith.constant 16 : i32
        %mul3A_73 = arith.muli %scan3A_61, %mul3A_72 : i32
        %get3A_74 = arith.index_cast %mul3A_73 : i32 to index
        %get3A_75 = tpu.vector_load %arg12[%get3A_74] {strides = array<i32>} : memref<10368xf32, #tpu.memory_space<vmem>>, vector<16xf32>,
        tpu.vector_store_idx %arg16[%min3A_71], %get3A_75 masked %lt3A_68 : memref<6016xf32, #tpu.memory_space<vmem>>[vector<16xi32>], vector<16xf32>, vector<16xi1>
        %mul3A_76 = arith.constant 16 : i32
        %mul3A_77 = arith.muli %scan3A_61, %mul3A_76 : i32
        %get3A_78 = arith.index_cast %mul3A_77 : i32 to index
        %get3A_79 = tpu.vector_load %arg13[%get3A_78] {strides = array<i32>} : memref<10368xf32, #tpu.memory_space<vmem>>, vector<16xf32>,
        tpu.vector_store_idx %arg17[%min3A_71], %get3A_79 masked %lt3A_68 : memref<6016xf32, #tpu.memory_space<vmem>>[vector<16xi32>], vector<16xf32>, vector<16xi1>
        %mul3A_80 = arith.constant 16 : i32
        %mul3A_81 = arith.muli %scan3A_61, %mul3A_80 : i32
        %get3A_82 = arith.index_cast %mul3A_81 : i32 to index
        %get3A_83 = tpu.vector_load %arg14[%get3A_82] {strides = array<i32>} : memref<10368xf32, #tpu.memory_space<vmem>>, vector<16xf32>,
        tpu.vector_store_idx %arg18[%min3A_71], %get3A_83 masked %lt3A_68 : memref<6016xf32, #tpu.memory_space<vmem>>[vector<16xi32>], vector<16xf32>, vector<16xi1>
        %mul3A_84 = arith.constant 16 : i32
        %mul3A_85 = arith.muli %scan3A_61, %mul3A_84 : i32
        %get3A_86 = arith.index_cast %mul3A_85 : i32 to index
        %get3A_87 = tpu.vector_load %arg15[%get3A_86] {strides = array<i32>} : memref<10368xf32, #tpu.memory_space<vmem>>, vector<16xf32>,
        tpu.vector_store_idx %arg19[%min3A_71], %get3A_87 masked %lt3A_68 : memref<6016xf32, #tpu.memory_space<vmem>>[vector<16xi32>], vector<16xf32>, vector<16xi1>
        %scan3A_88 = arith.constant 3 : i32
        %scan3A_89 = arith.addi %scan3A_8, %scan3A_88 : i32
        %mul3A_90 = arith.constant 16 : i32
        %mul3A_91 = arith.muli %scan3A_89, %mul3A_90 : i32
        %get3A_92 = arith.index_cast %mul3A_91 : i32 to index
        %get3A_93 = tpu.vector_load %arg11[%get3A_92] {strides = array<i32>} : memref<10368xi32, #tpu.memory_space<vmem>>, vector<16xi32>,
        %lt3A_94 = arith.constant 6016 : i32
        %lt3A_95 = vector.broadcast %lt3A_94 : i32 to vector<16xi32>
        %lt3A_96 = arith.cmpi slt, %get3A_93, %lt3A_95 : vector<16xi32>
        %min3A_97 = arith.constant 6015 : i32
        %min3A_98 = vector.broadcast %min3A_97 : i32 to vector<16xi32>
        %min3A_99 = arith.minsi %get3A_93, %min3A_98 : vector<16xi32>
        %mul3A_100 = arith.constant 16 : i32
        %mul3A_101 = arith.muli %scan3A_89, %mul3A_100 : i32
        %get3A_102 = arith.index_cast %mul3A_101 : i32 to index
        %get3A_103 = tpu.vector_load %arg12[%get3A_102] {strides = array<i32>} : memref<10368xf32, #tpu.memory_space<vmem>>, vector<16xf32>,
        tpu.vector_store_idx %arg16[%min3A_99], %get3A_103 masked %lt3A_96 : memref<6016xf32, #tpu.memory_space<vmem>>[vector<16xi32>], vector<16xf32>, vector<16xi1>
        %mul3A_104 = arith.constant 16 : i32
        %mul3A_105 = arith.muli %scan3A_89, %mul3A_104 : i32
        %get3A_106 = arith.index_cast %mul3A_105 : i32 to index
        %get3A_107 = tpu.vector_load %arg13[%get3A_106] {strides = array<i32>} : memref<10368xf32, #tpu.memory_space<vmem>>, vector<16xf32>,
        tpu.vector_store_idx %arg17[%min3A_99], %get3A_107 masked %lt3A_96 : memref<6016xf32, #tpu.memory_space<vmem>>[vector<16xi32>], vector<16xf32>, vector<16xi1>
        %mul3A_108 = arith.constant 16 : i32
        %mul3A_109 = arith.muli %scan3A_89, %mul3A_108 : i32
        %get3A_110 = arith.index_cast %mul3A_109 : i32 to index
        %get3A_111 = tpu.vector_load %arg14[%get3A_110] {strides = array<i32>} : memref<10368xf32, #tpu.memory_space<vmem>>, vector<16xf32>,
        tpu.vector_store_idx %arg18[%min3A_99], %get3A_111 masked %lt3A_96 : memref<6016xf32, #tpu.memory_space<vmem>>[vector<16xi32>], vector<16xf32>, vector<16xi1>
        %mul3A_112 = arith.constant 16 : i32
        %mul3A_113 = arith.muli %scan3A_89, %mul3A_112 : i32
        %get3A_114 = arith.index_cast %mul3A_113 : i32 to index
        %get3A_115 = tpu.vector_load %arg15[%get3A_114] {strides = array<i32>} : memref<10368xf32, #tpu.memory_space<vmem>>, vector<16xf32>,
        tpu.vector_store_idx %arg19[%min3A_99], %get3A_115 masked %lt3A_96 : memref<6016xf32, #tpu.memory_space<vmem>>[vector<16xi32>], vector<16xf32>, vector<16xi1>
      }
      %scan3A_7 = arith.constant 648 : i32
      "tpu.region"() ({
        %run_scoped3A = tpu.sem_alloc : memref<!tpu.dma_semaphore, #tpu.memory_space<semaphore_mem>>
        tpu.enqueue_dma source(%arg16 : memref<6016xf32, #tpu.memory_space<vmem>>) target(%arg7 : memref<6016xf32, #tpu.memory_space<hbm>>) target_semaphore(%run_scoped3A : memref<!tpu.dma_semaphore, #tpu.memory_space<semaphore_mem>>)
        tpu.wait_dma2 semaphore(%run_scoped3A : memref<!tpu.dma_semaphore, #tpu.memory_space<semaphore_mem>>) src(%arg16 : memref<6016xf32, #tpu.memory_space<vmem>>) dst(%arg7 : memref<6016xf32, #tpu.memory_space<hbm>>)
        tpu.yield
      }) : () -> ()
      "tpu.region"() ({
        %run_scoped3A = tpu.sem_alloc : memref<!tpu.dma_semaphore, #tpu.memory_space<semaphore_mem>>
        tpu.enqueue_dma source(%arg17 : memref<6016xf32, #tpu.memory_space<vmem>>) target(%arg8 : memref<6016xf32, #tpu.memory_space<hbm>>) target_semaphore(%run_scoped3A : memref<!tpu.dma_semaphore, #tpu.memory_space<semaphore_mem>>)
        tpu.wait_dma2 semaphore(%run_scoped3A : memref<!tpu.dma_semaphore, #tpu.memory_space<semaphore_mem>>) src(%arg17 : memref<6016xf32, #tpu.memory_space<vmem>>) dst(%arg8 : memref<6016xf32, #tpu.memory_space<hbm>>)
        tpu.yield
      }) : () -> ()
      "tpu.region"() ({
        %run_scoped3A = tpu.sem_alloc : memref<!tpu.dma_semaphore, #tpu.memory_space<semaphore_mem>>
        tpu.enqueue_dma source(%arg18 : memref<6016xf32, #tpu.memory_space<vmem>>) target(%arg9 : memref<6016xf32, #tpu.memory_space<hbm>>) target_semaphore(%run_scoped3A : memref<!tpu.dma_semaphore, #tpu.memory_space<semaphore_mem>>)
        tpu.wait_dma2 semaphore(%run_scoped3A : memref<!tpu.dma_semaphore, #tpu.memory_space<semaphore_mem>>) src(%arg18 : memref<6016xf32, #tpu.memory_space<vmem>>) dst(%arg9 : memref<6016xf32, #tpu.memory_space<hbm>>)
        tpu.yield
      }) : () -> ()
      "tpu.region"() ({
        %run_scoped3A = tpu.sem_alloc : memref<!tpu.dma_semaphore, #tpu.memory_space<semaphore_mem>>
        tpu.enqueue_dma source(%arg19 : memref<6016xf32, #tpu.memory_space<vmem>>) target(%arg10 : memref<6016xf32, #tpu.memory_space<hbm>>) target_semaphore(%run_scoped3A : memref<!tpu.dma_semaphore, #tpu.memory_space<semaphore_mem>>)
        tpu.wait_dma2 semaphore(%run_scoped3A : memref<!tpu.dma_semaphore, #tpu.memory_space<semaphore_mem>>) src(%arg19 : memref<6016xf32, #tpu.memory_space<vmem>>) dst(%arg10 : memref<6016xf32, #tpu.memory_space<hbm>>)
        tpu.yield
      }) : () -> ()
    } else {
    }
    return
  }
}

module attributes {stable_mosaic.version = 14 : i64} {
  func.func @_k2_body(%arg0: memref<81x128xf32, #tpu.memory_space<vmem>>, %arg1: memref<81x128xi32, #tpu.memory_space<vmem>>, %arg2: memref<81x128xi32, #tpu.memory_space<vmem>>) attributes {dimension_semantics = [], scalar_prefetch = 0 : i64, scratch_operands = 0 : i64, tpu.core_type = #tpu.core_type<tc>} {
    %broadcast_in_dim3A = arith.constant 0 : i32
    %broadcast_in_dim3A_0 = vector.broadcast %broadcast_in_dim3A : i32 to vector<81x128xi32>
    %swap3A = arith.constant 0 : index
    %swap3A_1 = arith.constant 0 : index
    %swap3A_2 = vector.load %arg2[%swap3A, %swap3A_1] : memref<81x128xi32, #tpu.memory_space<vmem>>, vector<81x128xi32>
    tpu.vector_store %arg2[%swap3A, %swap3A_1], %broadcast_in_dim3A_0 {strides = array<i32>} : memref<81x128xi32, #tpu.memory_space<vmem>>, vector<81x128xi32>,
    %broadcast_in_dim3A_3 = arith.constant 1.000000e+00 : f32
    %broadcast_in_dim3A_4 = vector.broadcast %broadcast_in_dim3A_3 : f32 to vector<128x1xf32>
    %broadcast_in_dim3A_5 = arith.constant 1.000000e+00 : f32
    %broadcast_in_dim3A_6 = vector.broadcast %broadcast_in_dim3A_5 : f32 to vector<1x128xf32>
    %scan3A = arith.constant 0 : i32
    %scan3A_7 = arith.constant 81 : i32
    %scan3A_8 = arith.addi %scan3A, %scan3A_7 : i32
    %scan3A_9 = arith.constant 1 : i32
    scf.for %scan3A_11 = %scan3A to %scan3A_8 step %scan3A_9  : i32 {
      %get3A = arith.index_cast %scan3A_11 : i32 to index
      %get3A_12 = arith.constant 0 : index
      %get3A_13 = vector.load %arg0[%get3A, %get3A_12] : memref<81x128xf32, #tpu.memory_space<vmem>>, vector<1x128xf32>
      %get3A_14 = arith.index_cast %scan3A_11 : i32 to index
      %get3A_15 = arith.constant 0 : index
      %get3A_16 = vector.load %arg1[%get3A_14, %get3A_15] : memref<81x128xi32, #tpu.memory_space<vmem>>, vector<1x128xi32>
      %transpose3A = tpu.transpose %get3A_13, [1, 0] : vector<1x128xf32> -> vector<128x1xf32>
      %transpose3A_17 = tpu.transpose %get3A_16, [1, 0] : vector<1x128xi32> -> vector<128x1xi32>
      %gt3A = vector.broadcast %get3A_13 : vector<1x128xf32> to vector<128x128xf32>
      %gt3A_18 = vector.broadcast %transpose3A : vector<128x1xf32> to vector<128x128xf32>
      %gt3A_19 = arith.cmpf ogt, %gt3A, %gt3A_18 : vector<128x128xf32>
      %eq3A = vector.broadcast %get3A_13 : vector<1x128xf32> to vector<128x128xf32>
      %eq3A_20 = vector.broadcast %transpose3A : vector<128x1xf32> to vector<128x128xf32>
      %eq3A_21 = arith.cmpf oeq, %eq3A, %eq3A_20 : vector<128x128xf32>
      %lt3A = vector.broadcast %get3A_16 : vector<1x128xi32> to vector<128x128xi32>
      %lt3A_22 = vector.broadcast %transpose3A_17 : vector<128x1xi32> to vector<128x128xi32>
      %lt3A_23 = arith.cmpi slt, %lt3A, %lt3A_22 : vector<128x128xi32>
      %and3A = arith.andi %eq3A_21, %lt3A_23 : vector<128x128xi1>
      %or3A = arith.ori %gt3A_19, %and3A : vector<128x128xi1>
      %convert_element_type3A = arith.extui %or3A : vector<128x128xi1> to vector<128x128xi32>
      %convert_element_type3A_24 = arith.sitofp %convert_element_type3A : vector<128x128xi32> to vector<128x128xf32>
      %dot_general3A = arith.constant dense<0.000000e+00> : vector<128x1xf32>
      %dot_general3A_25 = tpu.matmul %convert_element_type3A_24, %broadcast_in_dim3A_4, %dot_general3A {dimension_numbers = #tpu.dot_dimension_numbers<[1], [0], [0], [1], [0, 0, 1, 1], [], []>, transpose_lhs_hint = false} : vector<128x128xf32>, vector<128x1xf32>, vector<128x1xf32> -> vector<128x1xf32>
      %add3A = arith.constant 1 : i32
      %add3A_26 = arith.addi %scan3A_11, %add3A : i32
      %while3A = arith.constant 81 : i32
      %while3A_27 = arith.subi %while3A, %add3A_26 : i32
      %while3A_28 = arith.addi %add3A_26, %while3A_27 : i32
      %while3A_29 = arith.constant 1 : i32
      %while3A_30 = arith.divsi %while3A_27, %while3A_29 : i32
      %while3A_31 = arith.muli %while3A_30, %while3A_29 : i32
      %while3A_32 = arith.addi %add3A_26, %while3A_31 : i32
      %while3A_33 = arith.constant 1 : i32
      %while3A_34 = scf.for %while3A_46 = %add3A_26 to %while3A_32 step %while3A_33 iter_args(%while3A_47 = %dot_general3A_25) -> (vector<128x1xf32>)  : i32 {
        %get3A_48 = arith.index_cast %while3A_46 : i32 to index
        %get3A_49 = arith.constant 0 : index
        %get3A_50 = vector.load %arg0[%get3A_48, %get3A_49] : memref<81x128xf32, #tpu.memory_space<vmem>>, vector<1x128xf32>
        %get3A_51 = arith.index_cast %while3A_46 : i32 to index
        %get3A_52 = arith.constant 0 : index
        %get3A_53 = vector.load %arg1[%get3A_51, %get3A_52] : memref<81x128xi32, #tpu.memory_space<vmem>>, vector<1x128xi32>
        %gt3A_54 = vector.broadcast %get3A_50 : vector<1x128xf32> to vector<128x128xf32>
        %gt3A_55 = vector.broadcast %transpose3A : vector<128x1xf32> to vector<128x128xf32>
        %gt3A_56 = arith.cmpf ogt, %gt3A_54, %gt3A_55 : vector<128x128xf32>
        %eq3A_57 = vector.broadcast %get3A_50 : vector<1x128xf32> to vector<128x128xf32>
        %eq3A_58 = vector.broadcast %transpose3A : vector<128x1xf32> to vector<128x128xf32>
        %eq3A_59 = arith.cmpf oeq, %eq3A_57, %eq3A_58 : vector<128x128xf32>
        %lt3A_60 = vector.broadcast %get3A_53 : vector<1x128xi32> to vector<128x128xi32>
        %lt3A_61 = vector.broadcast %transpose3A_17 : vector<128x1xi32> to vector<128x128xi32>
        %lt3A_62 = arith.cmpi slt, %lt3A_60, %lt3A_61 : vector<128x128xi32>
        %and3A_63 = arith.andi %eq3A_59, %lt3A_62 : vector<128x128xi1>
        %or3A_64 = arith.ori %gt3A_56, %and3A_63 : vector<128x128xi1>
        %convert_element_type3A_65 = arith.extui %or3A_64 : vector<128x128xi1> to vector<128x128xi32>
        %convert_element_type3A_66 = arith.sitofp %convert_element_type3A_65 : vector<128x128xi32> to vector<128x128xf32>
        %dot_general3A_67 = arith.constant dense<0.000000e+00> : vector<128x1xf32>
        %dot_general3A_68 = tpu.matmul %convert_element_type3A_66, %broadcast_in_dim3A_4, %dot_general3A_67 {dimension_numbers = #tpu.dot_dimension_numbers<[1], [0], [0], [1], [0, 0, 1, 1], [], []>, transpose_lhs_hint = false} : vector<128x128xf32>, vector<128x1xf32>, vector<128x1xf32> -> vector<128x1xf32>
        %add3A_69 = arith.addf %while3A_47, %dot_general3A_68 : vector<128x1xf32>
        %dot_general3A_70 = arith.constant dense<0.000000e+00> : vector<1x128xf32>
        %dot_general3A_71 = tpu.matmul %broadcast_in_dim3A_6, %convert_element_type3A_66, %dot_general3A_70 {dimension_numbers = #tpu.dot_dimension_numbers<[1], [0], [0], [1], [0, 0, 1, 1], [], []>, transpose_lhs_hint = false} : vector<1x128xf32>, vector<128x128xf32>, vector<1x128xf32> -> vector<1x128xf32>
        %get3A_72 = arith.index_cast %while3A_46 : i32 to index
        %get3A_73 = arith.constant 0 : index
        %get3A_74 = vector.load %arg2[%get3A_72, %get3A_73] : memref<81x128xi32, #tpu.memory_space<vmem>>, vector<1x128xi32>
        %sub3A = arith.constant 1.280000e+02 : f32
        %sub3A_75 = vector.broadcast %sub3A : f32 to vector<1x128xf32>
        %sub3A_76 = arith.subf %sub3A_75, %dot_general3A_71 : vector<1x128xf32>
        %convert_element_type3A_77 = arith.fptosi %sub3A_76 : vector<1x128xf32> to vector<1x128xi32>
        %add3A_78 = arith.addi %get3A_74, %convert_element_type3A_77 : vector<1x128xi32>
        %swap3A_79 = arith.index_cast %while3A_46 : i32 to index
        %swap3A_80 = arith.constant 0 : index
        %swap3A_81 = vector.load %arg2[%swap3A_79, %swap3A_80] : memref<81x128xi32, #tpu.memory_space<vmem>>, vector<1x128xi32>
        tpu.vector_store %arg2[%swap3A_79, %swap3A_80], %add3A_78 {strides = array<i32>} : memref<81x128xi32, #tpu.memory_space<vmem>>, vector<1x128xi32>,
        scf.yield %add3A_69 : vector<128x1xf32>
      }
      %while3A_35 = arith.constant 1 : i32
      %while3A_36 = scf.for %while3A_46 = %while3A_32 to %while3A_28 step %while3A_35 iter_args(%while3A_47 = %while3A_34) -> (vector<128x1xf32>)  : i32 {
        %get3A_48 = arith.index_cast %while3A_46 : i32 to index
        %get3A_49 = arith.constant 0 : index
        %get3A_50 = vector.load %arg0[%get3A_48, %get3A_49] : memref<81x128xf32, #tpu.memory_space<vmem>>, vector<1x128xf32>
        %get3A_51 = arith.index_cast %while3A_46 : i32 to index
        %get3A_52 = arith.constant 0 : index
        %get3A_53 = vector.load %arg1[%get3A_51, %get3A_52] : memref<81x128xi32, #tpu.memory_space<vmem>>, vector<1x128xi32>
        %gt3A_54 = vector.broadcast %get3A_50 : vector<1x128xf32> to vector<128x128xf32>
        %gt3A_55 = vector.broadcast %transpose3A : vector<128x1xf32> to vector<128x128xf32>
        %gt3A_56 = arith.cmpf ogt, %gt3A_54, %gt3A_55 : vector<128x128xf32>
        %eq3A_57 = vector.broadcast %get3A_50 : vector<1x128xf32> to vector<128x128xf32>
        %eq3A_58 = vector.broadcast %transpose3A : vector<128x1xf32> to vector<128x128xf32>
        %eq3A_59 = arith.cmpf oeq, %eq3A_57, %eq3A_58 : vector<128x128xf32>
        %lt3A_60 = vector.broadcast %get3A_53 : vector<1x128xi32> to vector<128x128xi32>
        %lt3A_61 = vector.broadcast %transpose3A_17 : vector<128x1xi32> to vector<128x128xi32>
        %lt3A_62 = arith.cmpi slt, %lt3A_60, %lt3A_61 : vector<128x128xi32>
        %and3A_63 = arith.andi %eq3A_59, %lt3A_62 : vector<128x128xi1>
        %or3A_64 = arith.ori %gt3A_56, %and3A_63 : vector<128x128xi1>
        %convert_element_type3A_65 = arith.extui %or3A_64 : vector<128x128xi1> to vector<128x128xi32>
        %convert_element_type3A_66 = arith.sitofp %convert_element_type3A_65 : vector<128x128xi32> to vector<128x128xf32>
        %dot_general3A_67 = arith.constant dense<0.000000e+00> : vector<128x1xf32>
        %dot_general3A_68 = tpu.matmul %convert_element_type3A_66, %broadcast_in_dim3A_4, %dot_general3A_67 {dimension_numbers = #tpu.dot_dimension_numbers<[1], [0], [0], [1], [0, 0, 1, 1], [], []>, transpose_lhs_hint = false} : vector<128x128xf32>, vector<128x1xf32>, vector<128x1xf32> -> vector<128x1xf32>
        %add3A_69 = arith.addf %while3A_47, %dot_general3A_68 : vector<128x1xf32>
        %dot_general3A_70 = arith.constant dense<0.000000e+00> : vector<1x128xf32>
        %dot_general3A_71 = tpu.matmul %broadcast_in_dim3A_6, %convert_element_type3A_66, %dot_general3A_70 {dimension_numbers = #tpu.dot_dimension_numbers<[1], [0], [0], [1], [0, 0, 1, 1], [], []>, transpose_lhs_hint = false} : vector<1x128xf32>, vector<128x128xf32>, vector<1x128xf32> -> vector<1x128xf32>
        %get3A_72 = arith.index_cast %while3A_46 : i32 to index
        %get3A_73 = arith.constant 0 : index
        %get3A_74 = vector.load %arg2[%get3A_72, %get3A_73] : memref<81x128xi32, #tpu.memory_space<vmem>>, vector<1x128xi32>
        %sub3A = arith.constant 1.280000e+02 : f32
        %sub3A_75 = vector.broadcast %sub3A : f32 to vector<1x128xf32>
        %sub3A_76 = arith.subf %sub3A_75, %dot_general3A_71 : vector<1x128xf32>
        %convert_element_type3A_77 = arith.fptosi %sub3A_76 : vector<1x128xf32> to vector<1x128xi32>
        %add3A_78 = arith.addi %get3A_74, %convert_element_type3A_77 : vector<1x128xi32>
        %swap3A_79 = arith.index_cast %while3A_46 : i32 to index
        %swap3A_80 = arith.constant 0 : index
        %swap3A_81 = vector.load %arg2[%swap3A_79, %swap3A_80] : memref<81x128xi32, #tpu.memory_space<vmem>>, vector<1x128xi32>
        tpu.vector_store %arg2[%swap3A_79, %swap3A_80], %add3A_78 {strides = array<i32>} : memref<81x128xi32, #tpu.memory_space<vmem>>, vector<1x128xi32>,
        scf.yield %add3A_69 : vector<128x1xf32>
      }
      %get3A_37 = arith.index_cast %scan3A_11 : i32 to index
      %get3A_38 = arith.constant 0 : index
      %get3A_39 = vector.load %arg2[%get3A_37, %get3A_38] : memref<81x128xi32, #tpu.memory_space<vmem>>, vector<1x128xi32>
      %transpose3A_40 = tpu.transpose %while3A_36, [1, 0] : vector<128x1xf32> -> vector<1x128xf32>
      %convert_element_type3A_41 = arith.fptosi %transpose3A_40 : vector<1x128xf32> to vector<1x128xi32>
      %add3A_42 = arith.addi %get3A_39, %convert_element_type3A_41 : vector<1x128xi32>
      %swap3A_43 = arith.index_cast %scan3A_11 : i32 to index
      %swap3A_44 = arith.constant 0 : index
      %swap3A_45 = vector.load %arg2[%swap3A_43, %swap3A_44] : memref<81x128xi32, #tpu.memory_space<vmem>>, vector<1x128xi32>
      tpu.vector_store %arg2[%swap3A_43, %swap3A_44], %add3A_42 {strides = array<i32>} : memref<81x128xi32, #tpu.memory_space<vmem>>, vector<1x128xi32>,
    }
    %scan3A_10 = arith.constant 81 : i32
    return
  }
}

module attributes {stable_mosaic.version = 14 : i64} {
  func.func @_k1_body(%arg0: memref<2304x1152xf32, #tpu.memory_space<vmem>>, %arg1: memref<256x2304xf32, #tpu.memory_space<vmem>>, %arg2: memref<9x256xf32, #tpu.memory_space<vmem>>, %arg3: memref<9x256xf32, #tpu.memory_space<vmem>>, %arg4: memref<9x1xf32, #tpu.memory_space<vmem>>, %arg5: memref<9x1xf32, #tpu.memory_space<vmem>>, %arg6: memref<9x256xf32, #tpu.memory_space<vmem>>, %arg7: memref<9x256xf32, #tpu.memory_space<vmem>>, %arg8: memref<9x256xf32, #tpu.memory_space<vmem>>, %arg9: memref<9x256xf32, #tpu.memory_space<vmem>>, %arg10: memref<9x1xf32, #tpu.memory_space<vmem>>, %arg11: memref<9x1xf32, #tpu.memory_space<vmem>>, %arg12: memref<9x1xf32, #tpu.memory_space<vmem>>, %arg13: memref<9x1xf32, #tpu.memory_space<vmem>>, %arg14: memref<256x1xf32, #tpu.memory_space<vmem>>, %arg15: memref<9x1152xf32, #tpu.memory_space<vmem>>, %arg16: memref<9x1152xf32, #tpu.memory_space<vmem>>, %arg17: memref<9x1152xf32, #tpu.memory_space<vmem>>, %arg18: memref<9x1152xf32, #tpu.memory_space<vmem>>, %arg19: memref<9x1152xf32, #tpu.memory_space<vmem>>, %arg20: memref<1x2xf32, #tpu.memory_space<smem>>, %arg21: memref<9x1152xf32, #tpu.memory_space<vmem>>, %arg22: memref<9x1152xf32, #tpu.memory_space<vmem>>, %arg23: memref<9x1152xf32, #tpu.memory_space<vmem>>, %arg24: memref<9x1152xf32, #tpu.memory_space<vmem>>, %arg25: memref<9x1152xf32, #tpu.memory_space<vmem>>) attributes {dimension_semantics = [], scalar_prefetch = 0 : i64, scratch_operands = 0 : i64, tpu.core_type = #tpu.core_type<tc>} {
    %get3A = arith.constant 0 : index
    %get3A_0 = arith.constant 0 : index
    %get3A_1 = vector.load %arg1[%get3A, %get3A_0] : memref<256x2304xf32, #tpu.memory_space<vmem>>, vector<256x2304xf32>
    %get3A_2 = arith.constant 0 : index
    %get3A_3 = arith.constant 0 : index
    %get3A_4 = vector.load %arg0[%get3A_2, %get3A_3] : memref<2304x1152xf32, #tpu.memory_space<vmem>>, vector<2304x1152xf32>
    %dot_general3A = arith.constant dense<0.000000e+00> : vector<256x1152xf32>
    %dot_general3A_5 = tpu.matmul %get3A_1, %get3A_4, %dot_general3A {dimension_numbers = #tpu.dot_dimension_numbers<[1], [0], [0], [1], [0, 0, 1, 1], [], []>, transpose_lhs_hint = false} : vector<256x2304xf32>, vector<2304x1152xf32>, vector<256x1152xf32> -> vector<256x1152xf32>
    %get3A_6 = arith.constant 0 : index
    %get3A_7 = arith.constant 0 : index
    %get3A_8 = vector.load %arg14[%get3A_6, %get3A_7] : memref<256x1xf32, #tpu.memory_space<vmem>>, vector<256x1xf32>
    %add3A = vector.broadcast %get3A_8 : vector<256x1xf32> to vector<256x1152xf32>
    %add3A_9 = arith.addf %dot_general3A_5, %add3A : vector<256x1152xf32>
    %max3A = arith.constant 0.000000e+00 : f32
    %max3A_10 = vector.broadcast %max3A : f32 to vector<256x1152xf32>
    %max3A_11 = arith.maximumf %add3A_9, %max3A_10 : vector<256x1152xf32>
    %get3A_12 = arith.constant 0 : index
    %get3A_13 = arith.constant 0 : index
    %get3A_14 = vector.load %arg2[%get3A_12, %get3A_13] : memref<9x256xf32, #tpu.memory_space<vmem>>, vector<9x256xf32>
    %dot_general3A_15 = arith.constant dense<0.000000e+00> : vector<9x1152xf32>
    %dot_general3A_16 = tpu.matmul %get3A_14, %max3A_11, %dot_general3A_15 {dimension_numbers = #tpu.dot_dimension_numbers<[1], [0], [0], [1], [0, 0, 1, 1], [], []>, transpose_lhs_hint = false} : vector<9x256xf32>, vector<256x1152xf32>, vector<9x1152xf32> -> vector<9x1152xf32>
    %get3A_17 = arith.constant 0 : index
    %get3A_18 = arith.constant 0 : index
    %get3A_19 = vector.load %arg4[%get3A_17, %get3A_18] : memref<9x1xf32, #tpu.memory_space<vmem>>, vector<9x1xf32>
    %add3A_20 = vector.broadcast %get3A_19 : vector<9x1xf32> to vector<9x1152xf32>
    %add3A_21 = arith.addf %dot_general3A_16, %add3A_20 : vector<9x1152xf32>
    %get3A_22 = arith.constant 0 : index
    %get3A_23 = arith.constant 0 : index
    %get3A_24 = vector.load %arg3[%get3A_22, %get3A_23] : memref<9x256xf32, #tpu.memory_space<vmem>>, vector<9x256xf32>
    %dot_general3A_25 = arith.constant dense<0.000000e+00> : vector<9x1152xf32>
    %dot_general3A_26 = tpu.matmul %get3A_24, %max3A_11, %dot_general3A_25 {dimension_numbers = #tpu.dot_dimension_numbers<[1], [0], [0], [1], [0, 0, 1, 1], [], []>, transpose_lhs_hint = false} : vector<9x256xf32>, vector<256x1152xf32>, vector<9x1152xf32> -> vector<9x1152xf32>
    %get3A_27 = arith.constant 0 : index
    %get3A_28 = arith.constant 0 : index
    %get3A_29 = vector.load %arg5[%get3A_27, %get3A_28] : memref<9x1xf32, #tpu.memory_space<vmem>>, vector<9x1xf32>
    %add3A_30 = vector.broadcast %get3A_29 : vector<9x1xf32> to vector<9x1152xf32>
    %add3A_31 = arith.addf %dot_general3A_26, %add3A_30 : vector<9x1152xf32>
    %reduce_max3A = arith.constant dense<0xFF800000> : vector<1152xf32>
    %reduce_max3A_32 = vector.multi_reduction <maximumf>, %add3A_21, %reduce_max3A [0] : vector<9x1152xf32> to vector<1152xf32>
    %broadcast_in_dim3A = vector.shape_cast %reduce_max3A_32 : vector<1152xf32> to vector<1x1152xf32>
    %reduce_max3A_33 = arith.constant dense<0xFF800000> : vector<1152xf32>
    %reduce_max3A_34 = vector.multi_reduction <maximumf>, %add3A_31, %reduce_max3A_33 [0] : vector<9x1152xf32> to vector<1152xf32>
    %broadcast_in_dim3A_35 = vector.shape_cast %reduce_max3A_34 : vector<1152xf32> to vector<1x1152xf32>
    %max3A_36 = arith.maximumf %broadcast_in_dim3A, %broadcast_in_dim3A_35 : vector<1x1152xf32>
    %sub3A = vector.broadcast %max3A_36 : vector<1x1152xf32> to vector<9x1152xf32>
    %sub3A_37 = arith.subf %add3A_21, %sub3A : vector<9x1152xf32>
    %exp3A = math.exp %sub3A_37 : vector<9x1152xf32>
    %sub3A_38 = vector.broadcast %max3A_36 : vector<1x1152xf32> to vector<9x1152xf32>
    %sub3A_39 = arith.subf %add3A_31, %sub3A_38 : vector<9x1152xf32>
    %exp3A_40 = math.exp %sub3A_39 : vector<9x1152xf32>
    %reduce_sum3A = arith.constant dense<0.000000e+00> : vector<1152xf32>
    %reduce_sum3A_41 = vector.multi_reduction <add>, %exp3A, %reduce_sum3A [0] : vector<9x1152xf32> to vector<1152xf32>
    %broadcast_in_dim3A_42 = vector.shape_cast %reduce_sum3A_41 : vector<1152xf32> to vector<1x1152xf32>
    %reduce_sum3A_43 = arith.constant dense<0.000000e+00> : vector<1152xf32>
    %reduce_sum3A_44 = vector.multi_reduction <add>, %exp3A_40, %reduce_sum3A_43 [0] : vector<9x1152xf32> to vector<1152xf32>
    %broadcast_in_dim3A_45 = vector.shape_cast %reduce_sum3A_44 : vector<1152xf32> to vector<1x1152xf32>
    %add3A_46 = arith.addf %broadcast_in_dim3A_42, %broadcast_in_dim3A_45 : vector<1x1152xf32>
    %div3A = vector.broadcast %add3A_46 : vector<1x1152xf32> to vector<9x1152xf32>
    %div3A_47 = arith.divf %exp3A_40, %div3A : vector<9x1152xf32>
    %get3A_48 = arith.constant 0 : index
    %get3A_49 = arith.constant 0 : index
    %get3A_50 = vector.load %arg6[%get3A_48, %get3A_49] : memref<9x256xf32, #tpu.memory_space<vmem>>, vector<9x256xf32>
    %dot_general3A_51 = arith.constant dense<0.000000e+00> : vector<9x1152xf32>
    %dot_general3A_52 = tpu.matmul %get3A_50, %max3A_11, %dot_general3A_51 {dimension_numbers = #tpu.dot_dimension_numbers<[1], [0], [0], [1], [0, 0, 1, 1], [], []>, transpose_lhs_hint = false} : vector<9x256xf32>, vector<256x1152xf32>, vector<9x1152xf32> -> vector<9x1152xf32>
    %get3A_53 = arith.constant 0 : index
    %get3A_54 = arith.constant 0 : index
    %get3A_55 = vector.load %arg10[%get3A_53, %get3A_54] : memref<9x1xf32, #tpu.memory_space<vmem>>, vector<9x1xf32>
    %add3A_56 = vector.broadcast %get3A_55 : vector<9x1xf32> to vector<9x1152xf32>
    %add3A_57 = arith.addf %dot_general3A_52, %add3A_56 : vector<9x1152xf32>
    %get3A_58 = arith.constant 0 : index
    %get3A_59 = arith.constant 0 : index
    %get3A_60 = vector.load %arg7[%get3A_58, %get3A_59] : memref<9x256xf32, #tpu.memory_space<vmem>>, vector<9x256xf32>
    %dot_general3A_61 = arith.constant dense<0.000000e+00> : vector<9x1152xf32>
    %dot_general3A_62 = tpu.matmul %get3A_60, %max3A_11, %dot_general3A_61 {dimension_numbers = #tpu.dot_dimension_numbers<[1], [0], [0], [1], [0, 0, 1, 1], [], []>, transpose_lhs_hint = false} : vector<9x256xf32>, vector<256x1152xf32>, vector<9x1152xf32> -> vector<9x1152xf32>
    %get3A_63 = arith.constant 0 : index
    %get3A_64 = arith.constant 0 : index
    %get3A_65 = vector.load %arg11[%get3A_63, %get3A_64] : memref<9x1xf32, #tpu.memory_space<vmem>>, vector<9x1xf32>
    %add3A_66 = vector.broadcast %get3A_65 : vector<9x1xf32> to vector<9x1152xf32>
    %add3A_67 = arith.addf %dot_general3A_62, %add3A_66 : vector<9x1152xf32>
    %get3A_68 = arith.constant 0 : index
    %get3A_69 = arith.constant 0 : index
    %get3A_70 = vector.load %arg8[%get3A_68, %get3A_69] : memref<9x256xf32, #tpu.memory_space<vmem>>, vector<9x256xf32>
    %dot_general3A_71 = arith.constant dense<0.000000e+00> : vector<9x1152xf32>
    %dot_general3A_72 = tpu.matmul %get3A_70, %max3A_11, %dot_general3A_71 {dimension_numbers = #tpu.dot_dimension_numbers<[1], [0], [0], [1], [0, 0, 1, 1], [], []>, transpose_lhs_hint = false} : vector<9x256xf32>, vector<256x1152xf32>, vector<9x1152xf32> -> vector<9x1152xf32>
    %get3A_73 = arith.constant 0 : index
    %get3A_74 = arith.constant 0 : index
    %get3A_75 = vector.load %arg12[%get3A_73, %get3A_74] : memref<9x1xf32, #tpu.memory_space<vmem>>, vector<9x1xf32>
    %add3A_76 = vector.broadcast %get3A_75 : vector<9x1xf32> to vector<9x1152xf32>
    %add3A_77 = arith.addf %dot_general3A_72, %add3A_76 : vector<9x1152xf32>
    %get3A_78 = arith.constant 0 : index
    %get3A_79 = arith.constant 0 : index
    %get3A_80 = vector.load %arg9[%get3A_78, %get3A_79] : memref<9x256xf32, #tpu.memory_space<vmem>>, vector<9x256xf32>
    %dot_general3A_81 = arith.constant dense<0.000000e+00> : vector<9x1152xf32>
    %dot_general3A_82 = tpu.matmul %get3A_80, %max3A_11, %dot_general3A_81 {dimension_numbers = #tpu.dot_dimension_numbers<[1], [0], [0], [1], [0, 0, 1, 1], [], []>, transpose_lhs_hint = false} : vector<9x256xf32>, vector<256x1152xf32>, vector<9x1152xf32> -> vector<9x1152xf32>
    %get3A_83 = arith.constant 0 : index
    %get3A_84 = arith.constant 0 : index
    %get3A_85 = vector.load %arg13[%get3A_83, %get3A_84] : memref<9x1xf32, #tpu.memory_space<vmem>>, vector<9x1xf32>
    %add3A_86 = vector.broadcast %get3A_85 : vector<9x1xf32> to vector<9x1152xf32>
    %add3A_87 = arith.addf %dot_general3A_82, %add3A_86 : vector<9x1152xf32>
    %get3A_88 = arith.constant 0 : index
    %get3A_89 = arith.constant 0 : index
    %get3A_90 = vector.load %arg15[%get3A_88, %get3A_89] : memref<9x1152xf32, #tpu.memory_space<vmem>>, vector<9x1152xf32>
    %get3A_91 = arith.constant 0 : index
    %get3A_92 = arith.constant 0 : index
    %get3A_93 = vector.load %arg16[%get3A_91, %get3A_92] : memref<9x1152xf32, #tpu.memory_space<vmem>>, vector<9x1152xf32>
    %get3A_94 = arith.constant 0 : index
    %get3A_95 = arith.constant 0 : index
    %get3A_96 = vector.load %arg17[%get3A_94, %get3A_95] : memref<9x1152xf32, #tpu.memory_space<vmem>>, vector<9x1152xf32>
    %get3A_97 = arith.constant 0 : index
    %get3A_98 = arith.constant 0 : index
    %get3A_99 = vector.load %arg18[%get3A_97, %get3A_98] : memref<9x1152xf32, #tpu.memory_space<vmem>>, vector<9x1152xf32>
    %mul3A = arith.mulf %add3A_57, %get3A_96 : vector<9x1152xf32>
    %add3A_100 = arith.addf %mul3A, %get3A_90 : vector<9x1152xf32>
    %mul3A_101 = arith.mulf %add3A_67, %get3A_99 : vector<9x1152xf32>
    %add3A_102 = arith.addf %mul3A_101, %get3A_93 : vector<9x1152xf32>
    %exp3A_103 = math.exp %add3A_77 : vector<9x1152xf32>
    %mul3A_104 = arith.mulf %exp3A_103, %get3A_96 : vector<9x1152xf32>
    %exp3A_105 = math.exp %add3A_87 : vector<9x1152xf32>
    %mul3A_106 = arith.mulf %exp3A_105, %get3A_99 : vector<9x1152xf32>
    %get3A_107 = arith.constant 0 : index
    %get3A_108 = arith.constant 0 : index
    %get3A_109 = memref.load %arg20[%get3A_107, %get3A_108] : memref<1x2xf32, #tpu.memory_space<smem>>
    %get3A_110 = arith.constant 0 : index
    %get3A_111 = arith.constant 1 : index
    %get3A_112 = memref.load %arg20[%get3A_110, %get3A_111] : memref<1x2xf32, #tpu.memory_space<smem>>
    %mul3A_113 = arith.constant 5.000000e-01 : f32
    %mul3A_114 = vector.broadcast %mul3A_113 : f32 to vector<9x1152xf32>
    %mul3A_115 = arith.mulf %mul3A_114, %mul3A_104 : vector<9x1152xf32>
    %sub3A_116 = arith.subf %add3A_100, %mul3A_115 : vector<9x1152xf32>
    %jit3A = arith.constant 0.000000e+00 : f32
    %max3A_117 = vector.broadcast %jit3A : f32 to vector<9x1152xf32>
    %max3A_118 = arith.maximumf %max3A_117, %sub3A_116 : vector<9x1152xf32>
    %min3A = vector.broadcast %get3A_109 : f32 to vector<9x1152xf32>
    %min3A_119 = arith.minimumf %min3A, %max3A_118 : vector<9x1152xf32>
    %mul3A_120 = arith.constant 5.000000e-01 : f32
    %mul3A_121 = vector.broadcast %mul3A_120 : f32 to vector<9x1152xf32>
    %mul3A_122 = arith.mulf %mul3A_121, %mul3A_106 : vector<9x1152xf32>
    %sub3A_123 = arith.subf %add3A_102, %mul3A_122 : vector<9x1152xf32>
    %jit3A_124 = arith.constant 0.000000e+00 : f32
    %max3A_125 = vector.broadcast %jit3A_124 : f32 to vector<9x1152xf32>
    %max3A_126 = arith.maximumf %max3A_125, %sub3A_123 : vector<9x1152xf32>
    %min3A_127 = vector.broadcast %get3A_112 : f32 to vector<9x1152xf32>
    %min3A_128 = arith.minimumf %min3A_127, %max3A_126 : vector<9x1152xf32>
    %mul3A_129 = arith.constant 5.000000e-01 : f32
    %mul3A_130 = vector.broadcast %mul3A_129 : f32 to vector<9x1152xf32>
    %mul3A_131 = arith.mulf %mul3A_130, %mul3A_104 : vector<9x1152xf32>
    %add3A_132 = arith.addf %add3A_100, %mul3A_131 : vector<9x1152xf32>
    %jit3A_133 = arith.constant 0.000000e+00 : f32
    %max3A_134 = vector.broadcast %jit3A_133 : f32 to vector<9x1152xf32>
    %max3A_135 = arith.maximumf %max3A_134, %add3A_132 : vector<9x1152xf32>
    %min3A_136 = vector.broadcast %get3A_109 : f32 to vector<9x1152xf32>
    %min3A_137 = arith.minimumf %min3A_136, %max3A_135 : vector<9x1152xf32>
    %mul3A_138 = arith.constant 5.000000e-01 : f32
    %mul3A_139 = vector.broadcast %mul3A_138 : f32 to vector<9x1152xf32>
    %mul3A_140 = arith.mulf %mul3A_139, %mul3A_106 : vector<9x1152xf32>
    %add3A_141 = arith.addf %add3A_102, %mul3A_140 : vector<9x1152xf32>
    %jit3A_142 = arith.constant 0.000000e+00 : f32
    %max3A_143 = vector.broadcast %jit3A_142 : f32 to vector<9x1152xf32>
    %max3A_144 = arith.maximumf %max3A_143, %add3A_141 : vector<9x1152xf32>
    %min3A_145 = vector.broadcast %get3A_112 : f32 to vector<9x1152xf32>
    %min3A_146 = arith.minimumf %min3A_145, %max3A_144 : vector<9x1152xf32>
    %sub3A_147 = arith.subf %min3A_137, %min3A_119 : vector<9x1152xf32>
    %add3A_148 = arith.constant 1.000000e+00 : f32
    %add3A_149 = vector.broadcast %add3A_148 : f32 to vector<9x1152xf32>
    %add3A_150 = arith.addf %sub3A_147, %add3A_149 : vector<9x1152xf32>
    %sub3A_151 = arith.subf %min3A_146, %min3A_128 : vector<9x1152xf32>
    %add3A_152 = arith.constant 1.000000e+00 : f32
    %add3A_153 = vector.broadcast %add3A_152 : f32 to vector<9x1152xf32>
    %add3A_154 = arith.addf %sub3A_151, %add3A_153 : vector<9x1152xf32>
    %ge3A = arith.constant 1.600000e+01 : f32
    %ge3A_155 = vector.broadcast %ge3A : f32 to vector<9x1152xf32>
    %ge3A_156 = arith.cmpf oge, %add3A_150, %ge3A_155 : vector<9x1152xf32>
    %ge3A_157 = arith.constant 1.600000e+01 : f32
    %ge3A_158 = vector.broadcast %ge3A_157 : f32 to vector<9x1152xf32>
    %ge3A_159 = arith.cmpf oge, %add3A_154, %ge3A_158 : vector<9x1152xf32>
    %and3A = arith.andi %ge3A_156, %ge3A_159 : vector<9x1152xi1>
    %jit3A_160 = arith.constant -1.000000e+09 : f32
    %broadcast_in_dim3A_161 = vector.broadcast %jit3A_160 : f32 to vector<9x1152xf32>
    %select_n3A = arith.select %and3A, %div3A_47, %broadcast_in_dim3A_161 : vector<9x1152xi1>, vector<9x1152xf32>
    %get3A_162 = arith.constant 0 : index
    %get3A_163 = arith.constant 0 : index
    %get3A_164 = vector.load %arg19[%get3A_162, %get3A_163] : memref<9x1152xf32, #tpu.memory_space<vmem>>, vector<9x1152xf32>
    %gt3A = arith.constant 5.000000e-01 : f32
    %gt3A_165 = vector.broadcast %gt3A : f32 to vector<9x1152xf32>
    %gt3A_166 = arith.cmpf ogt, %get3A_164, %gt3A_165 : vector<9x1152xf32>
    %jit3A_167 = arith.constant -2.000000e+09 : f32
    %broadcast_in_dim3A_168 = vector.broadcast %jit3A_167 : f32 to vector<9x1152xf32>
    %select_n3A_169 = arith.select %gt3A_166, %select_n3A, %broadcast_in_dim3A_168 : vector<9x1152xi1>, vector<9x1152xf32>
    %swap3A = arith.constant 0 : index
    %swap3A_170 = arith.constant 0 : index
    %swap3A_171 = vector.load %arg21[%swap3A, %swap3A_170] : memref<9x1152xf32, #tpu.memory_space<vmem>>, vector<9x1152xf32>
    tpu.vector_store %arg21[%swap3A, %swap3A_170], %min3A_119 {strides = array<i32>} : memref<9x1152xf32, #tpu.memory_space<vmem>>, vector<9x1152xf32>,
    %swap3A_172 = arith.constant 0 : index
    %swap3A_173 = arith.constant 0 : index
    %swap3A_174 = vector.load %arg22[%swap3A_172, %swap3A_173] : memref<9x1152xf32, #tpu.memory_space<vmem>>, vector<9x1152xf32>
    tpu.vector_store %arg22[%swap3A_172, %swap3A_173], %min3A_128 {strides = array<i32>} : memref<9x1152xf32, #tpu.memory_space<vmem>>, vector<9x1152xf32>,
    %swap3A_175 = arith.constant 0 : index
    %swap3A_176 = arith.constant 0 : index
    %swap3A_177 = vector.load %arg23[%swap3A_175, %swap3A_176] : memref<9x1152xf32, #tpu.memory_space<vmem>>, vector<9x1152xf32>
    tpu.vector_store %arg23[%swap3A_175, %swap3A_176], %min3A_137 {strides = array<i32>} : memref<9x1152xf32, #tpu.memory_space<vmem>>, vector<9x1152xf32>,
    %swap3A_178 = arith.constant 0 : index
    %swap3A_179 = arith.constant 0 : index
    %swap3A_180 = vector.load %arg24[%swap3A_178, %swap3A_179] : memref<9x1152xf32, #tpu.memory_space<vmem>>, vector<9x1152xf32>
    tpu.vector_store %arg24[%swap3A_178, %swap3A_179], %min3A_146 {strides = array<i32>} : memref<9x1152xf32, #tpu.memory_space<vmem>>, vector<9x1152xf32>,
    %swap3A_181 = arith.constant 0 : index
    %swap3A_182 = arith.constant 0 : index
    %swap3A_183 = vector.load %arg25[%swap3A_181, %swap3A_182] : memref<9x1152xf32, #tpu.memory_space<vmem>>, vector<9x1152xf32>
    tpu.vector_store %arg25[%swap3A_181, %swap3A_182], %select_n3A_169 {strides = array<i32>} : memref<9x1152xf32, #tpu.memory_space<vmem>>, vector<9x1152xf32>,
    return
  }
}

module attributes {stable_mosaic.version = 14 : i64} {
  func.func @_k4_body(%arg0: i32, %arg1: memref<47x128xf32, #tpu.memory_space<vmem>>, %arg2: memref<47x128xf32, #tpu.memory_space<vmem>>, %arg3: memref<47x128xf32, #tpu.memory_space<vmem>>, %arg4: memref<47x128xf32, #tpu.memory_space<vmem>>, %arg5: memref<47x128xf32, #tpu.memory_space<vmem>>, %arg6: memref<47x128xf32, #tpu.memory_space<vmem>>) attributes {dimension_semantics = [#tpu.dimension_semantics<arbitrary>], iteration_bounds = array<i64: 47>, scalar_prefetch = 0 : i64, scratch_operands = 0 : i64, tpu.core_type = #tpu.core_type<tc>, window_params = [{pipeline_mode = #tpu.pipeline_mode<synchronous>, transform_indices = @transform_0, window_bounds = array<i64: 47, 128>}, {pipeline_mode = #tpu.pipeline_mode<synchronous>, transform_indices = @transform_1, window_bounds = array<i64: 47, 128>}, {pipeline_mode = #tpu.pipeline_mode<synchronous>, transform_indices = @transform_2, window_bounds = array<i64: 47, 128>}, {pipeline_mode = #tpu.pipeline_mode<synchronous>, transform_indices = @transform_3, window_bounds = array<i64: 47, 128>}, {pipeline_mode = #tpu.pipeline_mode<synchronous>, transform_indices = @transform_4, window_bounds = array<i64: 47, 128>}, {pipeline_mode = #tpu.pipeline_mode<synchronous>, transform_indices = @transform_5, window_bounds = array<i64: 47, 128>}]} {
    %eq3A = arith.constant 0 : i32
    %eq3A_0 = arith.cmpi eq, %arg0, %eq3A : i32
    %convert_element_type3A = arith.extui %eq3A_0 : i1 to i32
    %cond3A = arith.constant 0 : i32
    %cond3A_1 = arith.cmpi ne, %convert_element_type3A, %cond3A : i32
    scf.if %cond3A_1 {
      %get3A_82 = arith.constant 0 : index
      %get3A_83 = arith.constant 0 : index
      %get3A_84 = vector.load %arg5[%get3A_82, %get3A_83] : memref<47x128xf32, #tpu.memory_space<vmem>>, vector<47x128xf32>
      %swap3A_85 = arith.constant 0 : index
      %swap3A_86 = arith.constant 0 : index
      %swap3A_87 = vector.load %arg6[%swap3A_85, %swap3A_86] : memref<47x128xf32, #tpu.memory_space<vmem>>, vector<47x128xf32>
      tpu.vector_store %arg6[%swap3A_85, %swap3A_86], %get3A_84 {strides = array<i32>} : memref<47x128xf32, #tpu.memory_space<vmem>>, vector<47x128xf32>,
    } else {
    }
    %get3A = arith.index_cast %arg0 : i32 to index
    %get3A_2 = arith.constant 0 : index
    %get3A_3 = vector.load %arg1[%get3A, %get3A_2] : memref<47x128xf32, #tpu.memory_space<vmem>>, vector<1x128xf32>
    %get3A_4 = arith.index_cast %arg0 : i32 to index
    %get3A_5 = arith.constant 0 : index
    %get3A_6 = vector.load %arg2[%get3A_4, %get3A_5] : memref<47x128xf32, #tpu.memory_space<vmem>>, vector<1x128xf32>
    %get3A_7 = arith.index_cast %arg0 : i32 to index
    %get3A_8 = arith.constant 0 : index
    %get3A_9 = vector.load %arg3[%get3A_7, %get3A_8] : memref<47x128xf32, #tpu.memory_space<vmem>>, vector<1x128xf32>
    %get3A_10 = arith.index_cast %arg0 : i32 to index
    %get3A_11 = arith.constant 0 : index
    %get3A_12 = vector.load %arg4[%get3A_10, %get3A_11] : memref<47x128xf32, #tpu.memory_space<vmem>>, vector<1x128xf32>
    %sub3A = arith.subf %get3A_9, %get3A_3 : vector<1x128xf32>
    %add3A = arith.constant 1.000000e+00 : f32
    %add3A_13 = vector.broadcast %add3A : f32 to vector<1x128xf32>
    %add3A_14 = arith.addf %sub3A, %add3A_13 : vector<1x128xf32>
    %sub3A_15 = arith.subf %get3A_12, %get3A_6 : vector<1x128xf32>
    %add3A_16 = arith.constant 1.000000e+00 : f32
    %add3A_17 = vector.broadcast %add3A_16 : f32 to vector<1x128xf32>
    %add3A_18 = arith.addf %sub3A_15, %add3A_17 : vector<1x128xf32>
    %mul3A = arith.mulf %add3A_14, %add3A_18 : vector<1x128xf32>
    %transpose3A = tpu.transpose %get3A_3, [1, 0] : vector<1x128xf32> -> vector<128x1xf32>
    %transpose3A_19 = tpu.transpose %get3A_6, [1, 0] : vector<1x128xf32> -> vector<128x1xf32>
    %transpose3A_20 = tpu.transpose %get3A_9, [1, 0] : vector<1x128xf32> -> vector<128x1xf32>
    %transpose3A_21 = tpu.transpose %get3A_12, [1, 0] : vector<1x128xf32> -> vector<128x1xf32>
    %transpose3A_22 = tpu.transpose %mul3A, [1, 0] : vector<1x128xf32> -> vector<128x1xf32>
    %max3A = vector.broadcast %transpose3A : vector<128x1xf32> to vector<128x128xf32>
    %max3A_23 = vector.broadcast %get3A_3 : vector<1x128xf32> to vector<128x128xf32>
    %max3A_24 = arith.maximumf %max3A, %max3A_23 : vector<128x128xf32>
    %max3A_25 = vector.broadcast %transpose3A_19 : vector<128x1xf32> to vector<128x128xf32>
    %max3A_26 = vector.broadcast %get3A_6 : vector<1x128xf32> to vector<128x128xf32>
    %max3A_27 = arith.maximumf %max3A_25, %max3A_26 : vector<128x128xf32>
    %min3A = vector.broadcast %transpose3A_20 : vector<128x1xf32> to vector<128x128xf32>
    %min3A_28 = vector.broadcast %get3A_9 : vector<1x128xf32> to vector<128x128xf32>
    %min3A_29 = arith.minimumf %min3A, %min3A_28 : vector<128x128xf32>
    %min3A_30 = vector.broadcast %transpose3A_21 : vector<128x1xf32> to vector<128x128xf32>
    %min3A_31 = vector.broadcast %get3A_12 : vector<1x128xf32> to vector<128x128xf32>
    %min3A_32 = arith.minimumf %min3A_30, %min3A_31 : vector<128x128xf32>
    %sub3A_33 = arith.subf %min3A_29, %max3A_24 : vector<128x128xf32>
    %add3A_34 = arith.constant 1.000000e+00 : f32
    %add3A_35 = vector.broadcast %add3A_34 : f32 to vector<128x128xf32>
    %add3A_36 = arith.addf %sub3A_33, %add3A_35 : vector<128x128xf32>
    %max3A_37 = arith.constant 0.000000e+00 : f32
    %max3A_38 = vector.broadcast %max3A_37 : f32 to vector<128x128xf32>
    %max3A_39 = arith.maximumf %max3A_38, %add3A_36 : vector<128x128xf32>
    %sub3A_40 = arith.subf %min3A_32, %max3A_27 : vector<128x128xf32>
    %add3A_41 = arith.constant 1.000000e+00 : f32
    %add3A_42 = vector.broadcast %add3A_41 : f32 to vector<128x128xf32>
    %add3A_43 = arith.addf %sub3A_40, %add3A_42 : vector<128x128xf32>
    %max3A_44 = arith.constant 0.000000e+00 : f32
    %max3A_45 = vector.broadcast %max3A_44 : f32 to vector<128x128xf32>
    %max3A_46 = arith.maximumf %max3A_45, %add3A_43 : vector<128x128xf32>
    %mul3A_47 = arith.mulf %max3A_39, %max3A_46 : vector<128x128xf32>
    %add3A_48 = vector.broadcast %transpose3A_22 : vector<128x1xf32> to vector<128x128xf32>
    %add3A_49 = vector.broadcast %mul3A : vector<1x128xf32> to vector<128x128xf32>
    %add3A_50 = arith.addf %add3A_48, %add3A_49 : vector<128x128xf32>
    %sub3A_51 = arith.subf %add3A_50, %mul3A_47 : vector<128x128xf32>
    %div3A = arith.divf %mul3A_47, %sub3A_51 : vector<128x128xf32>
    %iota3A = tpu.iota {dimensions = array<i32: 0>} : vector<128x128xi32>
    %iota3A_52 = tpu.iota {dimensions = array<i32: 1>} : vector<128x128xi32>
    %lt3A = arith.cmpi slt, %iota3A, %iota3A_52 : vector<128x128xi32>
    %gt3A = arith.constant 0.699999988 : f32
    %gt3A_53 = vector.broadcast %gt3A : f32 to vector<128x128xf32>
    %gt3A_54 = arith.cmpf ogt, %div3A, %gt3A_53 : vector<128x128xf32>
    %and3A = arith.andi %gt3A_54, %lt3A : vector<128x128xi1>
    %convert_element_type3A_55 = arith.extui %and3A : vector<128x128xi1> to vector<128x128xi32>
    %convert_element_type3A_56 = arith.sitofp %convert_element_type3A_55 : vector<128x128xi32> to vector<128x128xf32>
    %get3A_57 = arith.index_cast %arg0 : i32 to index
    %get3A_58 = arith.constant 0 : index
    %get3A_59 = vector.load %arg6[%get3A_57, %get3A_58] : memref<47x128xf32, #tpu.memory_space<vmem>>, vector<1x128xf32>
    %dot_general3A = arith.constant dense<0.000000e+00> : vector<1x128xf32>
    %dot_general3A_60 = tpu.matmul %get3A_59, %convert_element_type3A_56, %dot_general3A {dimension_numbers = #tpu.dot_dimension_numbers<[1], [0], [0], [1], [0, 0, 1, 1], [], []>, transpose_lhs_hint = false} : vector<1x128xf32>, vector<128x128xf32>, vector<1x128xf32> -> vector<1x128xf32>
    %eq3A_61 = arith.constant 0.000000e+00 : f32
    %eq3A_62 = vector.broadcast %eq3A_61 : f32 to vector<1x128xf32>
    %eq3A_63 = arith.cmpf oeq, %dot_general3A_60, %eq3A_62 : vector<1x128xf32>
    %convert_element_type3A_64 = arith.extui %eq3A_63 : vector<1x128xi1> to vector<1x128xi32>
    %convert_element_type3A_65 = arith.sitofp %convert_element_type3A_64 : vector<1x128xi32> to vector<1x128xf32>
    %mul3A_66 = arith.mulf %get3A_59, %convert_element_type3A_65 : vector<1x128xf32>
    %while3A = arith.constant 0 : i32
    %while3A_67:3 = scf.while (%while3A_82 = %while3A, %while3A_83 = %get3A_59, %while3A_84 = %mul3A_66) : (i32, vector<1x128xf32>, vector<1x128xf32>) -> (i32, vector<1x128xf32>, vector<1x128xf32>) {
      %lt3A_85 = arith.constant 130 : i32
      %lt3A_86 = arith.cmpi slt, %while3A_82, %lt3A_85 : i32
      %ne3A = arith.cmpf one, %while3A_83, %while3A_84 : vector<1x128xf32>
      %reduce_or3A = arith.constant 1.000000e+00 : f32
      %reduce_or3A_87 = arith.constant 0.000000e+00 : f32
      %reduce_or3A_88 = vector.broadcast %reduce_or3A : f32 to vector<1x128xf32>
      %reduce_or3A_89 = vector.broadcast %reduce_or3A_87 : f32 to vector<1x128xf32>
      %reduce_or3A_90 = arith.select %ne3A, %reduce_or3A_88, %reduce_or3A_89 : vector<1x128xi1>, vector<1x128xf32>
      %reduce_or3A_91 = vector.shape_cast %reduce_or3A_90 : vector<1x128xf32> to vector<1x1x128xf32>
      %reduce_or3A_92 = arith.constant dense<0xFF800000> : vector<1xf32>
      %reduce_or3A_93 = vector.multi_reduction <maximumf>, %reduce_or3A_91, %reduce_or3A_92 [1, 2] : vector<1x1x128xf32> to vector<1xf32>
      %reduce_or3A_94 = vector.shape_cast %reduce_or3A_93 : vector<1xf32> to vector<1x1x1xf32>
      %reduce_or3A_95 = vector.extract %reduce_or3A_94[0, 0, 0] : f32 from vector<1x1x1xf32>
      %reduce_or3A_96 = arith.constant 0.000000e+00 : f32
      %reduce_or3A_97 = arith.cmpf ogt, %reduce_or3A_95, %reduce_or3A_96 : f32
      %and3A_98 = arith.andi %lt3A_86, %reduce_or3A_97 : i1
      scf.condition(%and3A_98) %while3A_82, %while3A_83, %while3A_84 : i32, vector<1x128xf32>, vector<1x128xf32>
    } do {
    ^bb0(%while3A_82: i32, %while3A_83: vector<1x128xf32>, %while3A_84: vector<1x128xf32>):
      %dot_general3A_85 = arith.constant dense<0.000000e+00> : vector<1x128xf32>
      %dot_general3A_86 = tpu.matmul %while3A_84, %convert_element_type3A_56, %dot_general3A_85 {dimension_numbers = #tpu.dot_dimension_numbers<[1], [0], [0], [1], [0, 0, 1, 1], [], []>, transpose_lhs_hint = false} : vector<1x128xf32>, vector<128x128xf32>, vector<1x128xf32> -> vector<1x128xf32>
      %eq3A_87 = arith.constant 0.000000e+00 : f32
      %eq3A_88 = vector.broadcast %eq3A_87 : f32 to vector<1x128xf32>
      %eq3A_89 = arith.cmpf oeq, %dot_general3A_86, %eq3A_88 : vector<1x128xf32>
      %convert_element_type3A_90 = arith.extui %eq3A_89 : vector<1x128xi1> to vector<1x128xi32>
      %convert_element_type3A_91 = arith.sitofp %convert_element_type3A_90 : vector<1x128xi32> to vector<1x128xf32>
      %mul3A_92 = arith.mulf %get3A_59, %convert_element_type3A_91 : vector<1x128xf32>
      %add3A_93 = arith.constant 1 : i32
      %add3A_94 = arith.addi %while3A_82, %add3A_93 : i32
      scf.yield %add3A_94, %while3A_84, %mul3A_92 : i32, vector<1x128xf32>, vector<1x128xf32>
    }
    %swap3A = arith.index_cast %arg0 : i32 to index
    %swap3A_68 = arith.constant 0 : index
    %swap3A_69 = vector.load %arg6[%swap3A, %swap3A_68] : memref<47x128xf32, #tpu.memory_space<vmem>>, vector<1x128xf32>
    tpu.vector_store %arg6[%swap3A, %swap3A_68], %while3A_67#2 {strides = array<i32>} : memref<47x128xf32, #tpu.memory_space<vmem>>, vector<1x128xf32>,
    %add3A_70 = arith.constant 1 : i32
    %add3A_71 = arith.addi %arg0, %add3A_70 : i32
    %while3A_72 = arith.constant 0 : i32
    %while3A_73 = arith.constant 47 : i32
    %while3A_74 = arith.subi %while3A_73, %add3A_71 : i32
    %while3A_75 = arith.addi %add3A_71, %while3A_74 : i32
    %while3A_76 = arith.constant 1 : i32
    %while3A_77 = arith.divsi %while3A_74, %while3A_76 : i32
    %while3A_78 = arith.muli %while3A_77, %while3A_76 : i32
    %while3A_79 = arith.addi %add3A_71, %while3A_78 : i32
    %while3A_80 = arith.constant 1 : i32
    scf.for %while3A_82 = %add3A_71 to %while3A_79 step %while3A_80  : i32 {
      %get3A_83 = arith.index_cast %while3A_82 : i32 to index
      %get3A_84 = arith.constant 0 : index
      %get3A_85 = vector.load %arg1[%get3A_83, %get3A_84] : memref<47x128xf32, #tpu.memory_space<vmem>>, vector<1x128xf32>
      %get3A_86 = arith.index_cast %while3A_82 : i32 to index
      %get3A_87 = arith.constant 0 : index
      %get3A_88 = vector.load %arg2[%get3A_86, %get3A_87] : memref<47x128xf32, #tpu.memory_space<vmem>>, vector<1x128xf32>
      %get3A_89 = arith.index_cast %while3A_82 : i32 to index
      %get3A_90 = arith.constant 0 : index
      %get3A_91 = vector.load %arg3[%get3A_89, %get3A_90] : memref<47x128xf32, #tpu.memory_space<vmem>>, vector<1x128xf32>
      %get3A_92 = arith.index_cast %while3A_82 : i32 to index
      %get3A_93 = arith.constant 0 : index
      %get3A_94 = vector.load %arg4[%get3A_92, %get3A_93] : memref<47x128xf32, #tpu.memory_space<vmem>>, vector<1x128xf32>
      %sub3A_95 = arith.subf %get3A_91, %get3A_85 : vector<1x128xf32>
      %add3A_96 = arith.constant 1.000000e+00 : f32
      %add3A_97 = vector.broadcast %add3A_96 : f32 to vector<1x128xf32>
      %add3A_98 = arith.addf %sub3A_95, %add3A_97 : vector<1x128xf32>
      %sub3A_99 = arith.subf %get3A_94, %get3A_88 : vector<1x128xf32>
      %add3A_100 = arith.constant 1.000000e+00 : f32
      %add3A_101 = vector.broadcast %add3A_100 : f32 to vector<1x128xf32>
      %add3A_102 = arith.addf %sub3A_99, %add3A_101 : vector<1x128xf32>
      %mul3A_103 = arith.mulf %add3A_98, %add3A_102 : vector<1x128xf32>
      %max3A_104 = vector.broadcast %transpose3A : vector<128x1xf32> to vector<128x128xf32>
      %max3A_105 = vector.broadcast %get3A_85 : vector<1x128xf32> to vector<128x128xf32>
      %max3A_106 = arith.maximumf %max3A_104, %max3A_105 : vector<128x128xf32>
      %max3A_107 = vector.broadcast %transpose3A_19 : vector<128x1xf32> to vector<128x128xf32>
      %max3A_108 = vector.broadcast %get3A_88 : vector<1x128xf32> to vector<128x128xf32>
      %max3A_109 = arith.maximumf %max3A_107, %max3A_108 : vector<128x128xf32>
      %min3A_110 = vector.broadcast %transpose3A_20 : vector<128x1xf32> to vector<128x128xf32>
      %min3A_111 = vector.broadcast %get3A_91 : vector<1x128xf32> to vector<128x128xf32>
      %min3A_112 = arith.minimumf %min3A_110, %min3A_111 : vector<128x128xf32>
      %min3A_113 = vector.broadcast %transpose3A_21 : vector<128x1xf32> to vector<128x128xf32>
      %min3A_114 = vector.broadcast %get3A_94 : vector<1x128xf32> to vector<128x128xf32>
      %min3A_115 = arith.minimumf %min3A_113, %min3A_114 : vector<128x128xf32>
      %sub3A_116 = arith.subf %min3A_112, %max3A_106 : vector<128x128xf32>
      %add3A_117 = arith.constant 1.000000e+00 : f32
      %add3A_118 = vector.broadcast %add3A_117 : f32 to vector<128x128xf32>
      %add3A_119 = arith.addf %sub3A_116, %add3A_118 : vector<128x128xf32>
      %max3A_120 = arith.constant 0.000000e+00 : f32
      %max3A_121 = vector.broadcast %max3A_120 : f32 to vector<128x128xf32>
      %max3A_122 = arith.maximumf %max3A_121, %add3A_119 : vector<128x128xf32>
      %sub3A_123 = arith.subf %min3A_115, %max3A_109 : vector<128x128xf32>
      %add3A_124 = arith.constant 1.000000e+00 : f32
      %add3A_125 = vector.broadcast %add3A_124 : f32 to vector<128x128xf32>
      %add3A_126 = arith.addf %sub3A_123, %add3A_125 : vector<128x128xf32>
      %max3A_127 = arith.constant 0.000000e+00 : f32
      %max3A_128 = vector.broadcast %max3A_127 : f32 to vector<128x128xf32>
      %max3A_129 = arith.maximumf %max3A_128, %add3A_126 : vector<128x128xf32>
      %mul3A_130 = arith.mulf %max3A_122, %max3A_129 : vector<128x128xf32>
      %add3A_131 = vector.broadcast %transpose3A_22 : vector<128x1xf32> to vector<128x128xf32>
      %add3A_132 = vector.broadcast %mul3A_103 : vector<1x128xf32> to vector<128x128xf32>
      %add3A_133 = arith.addf %add3A_131, %add3A_132 : vector<128x128xf32>
      %sub3A_134 = arith.subf %add3A_133, %mul3A_130 : vector<128x128xf32>
      %div3A_135 = arith.divf %mul3A_130, %sub3A_134 : vector<128x128xf32>
      %gt3A_136 = arith.constant 0.699999988 : f32
      %gt3A_137 = vector.broadcast %gt3A_136 : f32 to vector<128x128xf32>
      %gt3A_138 = arith.cmpf ogt, %div3A_135, %gt3A_137 : vector<128x128xf32>
      %convert_element_type3A_139 = arith.extui %gt3A_138 : vector<128x128xi1> to vector<128x128xi32>
      %convert_element_type3A_140 = arith.sitofp %convert_element_type3A_139 : vector<128x128xi32> to vector<128x128xf32>
      %dot_general3A_141 = arith.constant dense<0.000000e+00> : vector<1x128xf32>
      %dot_general3A_142 = tpu.matmul %while3A_67#2, %convert_element_type3A_140, %dot_general3A_141 {dimension_numbers = #tpu.dot_dimension_numbers<[1], [0], [0], [1], [0, 0, 1, 1], [], []>, transpose_lhs_hint = false} : vector<1x128xf32>, vector<128x128xf32>, vector<1x128xf32> -> vector<1x128xf32>
      %get3A_143 = arith.index_cast %while3A_82 : i32 to index
      %get3A_144 = arith.constant 0 : index
      %get3A_145 = vector.load %arg6[%get3A_143, %get3A_144] : memref<47x128xf32, #tpu.memory_space<vmem>>, vector<1x128xf32>
      %eq3A_146 = arith.constant 0.000000e+00 : f32
      %eq3A_147 = vector.broadcast %eq3A_146 : f32 to vector<1x128xf32>
      %eq3A_148 = arith.cmpf oeq, %dot_general3A_142, %eq3A_147 : vector<1x128xf32>
      %convert_element_type3A_149 = arith.extui %eq3A_148 : vector<1x128xi1> to vector<1x128xi32>
      %convert_element_type3A_150 = arith.sitofp %convert_element_type3A_149 : vector<1x128xi32> to vector<1x128xf32>
      %mul3A_151 = arith.mulf %get3A_145, %convert_element_type3A_150 : vector<1x128xf32>
      %swap3A_152 = arith.index_cast %while3A_82 : i32 to index
      %swap3A_153 = arith.constant 0 : index
      %swap3A_154 = vector.load %arg6[%swap3A_152, %swap3A_153] : memref<47x128xf32, #tpu.memory_space<vmem>>, vector<1x128xf32>
      tpu.vector_store %arg6[%swap3A_152, %swap3A_153], %mul3A_151 {strides = array<i32>} : memref<47x128xf32, #tpu.memory_space<vmem>>, vector<1x128xf32>,
    }
    %while3A_81 = arith.constant 1 : i32
    scf.for %while3A_82 = %while3A_79 to %while3A_75 step %while3A_81  : i32 {
      %get3A_83 = arith.index_cast %while3A_82 : i32 to index
      %get3A_84 = arith.constant 0 : index
      %get3A_85 = vector.load %arg1[%get3A_83, %get3A_84] : memref<47x128xf32, #tpu.memory_space<vmem>>, vector<1x128xf32>
      %get3A_86 = arith.index_cast %while3A_82 : i32 to index
      %get3A_87 = arith.constant 0 : index
      %get3A_88 = vector.load %arg2[%get3A_86, %get3A_87] : memref<47x128xf32, #tpu.memory_space<vmem>>, vector<1x128xf32>
      %get3A_89 = arith.index_cast %while3A_82 : i32 to index
      %get3A_90 = arith.constant 0 : index
      %get3A_91 = vector.load %arg3[%get3A_89, %get3A_90] : memref<47x128xf32, #tpu.memory_space<vmem>>, vector<1x128xf32>
      %get3A_92 = arith.index_cast %while3A_82 : i32 to index
      %get3A_93 = arith.constant 0 : index
      %get3A_94 = vector.load %arg4[%get3A_92, %get3A_93] : memref<47x128xf32, #tpu.memory_space<vmem>>, vector<1x128xf32>
      %sub3A_95 = arith.subf %get3A_91, %get3A_85 : vector<1x128xf32>
      %add3A_96 = arith.constant 1.000000e+00 : f32
      %add3A_97 = vector.broadcast %add3A_96 : f32 to vector<1x128xf32>
      %add3A_98 = arith.addf %sub3A_95, %add3A_97 : vector<1x128xf32>
      %sub3A_99 = arith.subf %get3A_94, %get3A_88 : vector<1x128xf32>
      %add3A_100 = arith.constant 1.000000e+00 : f32
      %add3A_101 = vector.broadcast %add3A_100 : f32 to vector<1x128xf32>
      %add3A_102 = arith.addf %sub3A_99, %add3A_101 : vector<1x128xf32>
      %mul3A_103 = arith.mulf %add3A_98, %add3A_102 : vector<1x128xf32>
      %max3A_104 = vector.broadcast %transpose3A : vector<128x1xf32> to vector<128x128xf32>
      %max3A_105 = vector.broadcast %get3A_85 : vector<1x128xf32> to vector<128x128xf32>
      %max3A_106 = arith.maximumf %max3A_104, %max3A_105 : vector<128x128xf32>
      %max3A_107 = vector.broadcast %transpose3A_19 : vector<128x1xf32> to vector<128x128xf32>
      %max3A_108 = vector.broadcast %get3A_88 : vector<1x128xf32> to vector<128x128xf32>
      %max3A_109 = arith.maximumf %max3A_107, %max3A_108 : vector<128x128xf32>
      %min3A_110 = vector.broadcast %transpose3A_20 : vector<128x1xf32> to vector<128x128xf32>
      %min3A_111 = vector.broadcast %get3A_91 : vector<1x128xf32> to vector<128x128xf32>
      %min3A_112 = arith.minimumf %min3A_110, %min3A_111 : vector<128x128xf32>
      %min3A_113 = vector.broadcast %transpose3A_21 : vector<128x1xf32> to vector<128x128xf32>
      %min3A_114 = vector.broadcast %get3A_94 : vector<1x128xf32> to vector<128x128xf32>
      %min3A_115 = arith.minimumf %min3A_113, %min3A_114 : vector<128x128xf32>
      %sub3A_116 = arith.subf %min3A_112, %max3A_106 : vector<128x128xf32>
      %add3A_117 = arith.constant 1.000000e+00 : f32
      %add3A_118 = vector.broadcast %add3A_117 : f32 to vector<128x128xf32>
      %add3A_119 = arith.addf %sub3A_116, %add3A_118 : vector<128x128xf32>
      %max3A_120 = arith.constant 0.000000e+00 : f32
      %max3A_121 = vector.broadcast %max3A_120 : f32 to vector<128x128xf32>
      %max3A_122 = arith.maximumf %max3A_121, %add3A_119 : vector<128x128xf32>
      %sub3A_123 = arith.subf %min3A_115, %max3A_109 : vector<128x128xf32>
      %add3A_124 = arith.constant 1.000000e+00 : f32
      %add3A_125 = vector.broadcast %add3A_124 : f32 to vector<128x128xf32>
      %add3A_126 = arith.addf %sub3A_123, %add3A_125 : vector<128x128xf32>
      %max3A_127 = arith.constant 0.000000e+00 : f32
      %max3A_128 = vector.broadcast %max3A_127 : f32 to vector<128x128xf32>
      %max3A_129 = arith.maximumf %max3A_128, %add3A_126 : vector<128x128xf32>
      %mul3A_130 = arith.mulf %max3A_122, %max3A_129 : vector<128x128xf32>
      %add3A_131 = vector.broadcast %transpose3A_22 : vector<128x1xf32> to vector<128x128xf32>
      %add3A_132 = vector.broadcast %mul3A_103 : vector<1x128xf32> to vector<128x128xf32>
      %add3A_133 = arith.addf %add3A_131, %add3A_132 : vector<128x128xf32>
      %sub3A_134 = arith.subf %add3A_133, %mul3A_130 : vector<128x128xf32>
      %div3A_135 = arith.divf %mul3A_130, %sub3A_134 : vector<128x128xf32>
      %gt3A_136 = arith.constant 0.699999988 : f32
      %gt3A_137 = vector.broadcast %gt3A_136 : f32 to vector<128x128xf32>
      %gt3A_138 = arith.cmpf ogt, %div3A_135, %gt3A_137 : vector<128x128xf32>
      %convert_element_type3A_139 = arith.extui %gt3A_138 : vector<128x128xi1> to vector<128x128xi32>
      %convert_element_type3A_140 = arith.sitofp %convert_element_type3A_139 : vector<128x128xi32> to vector<128x128xf32>
      %dot_general3A_141 = arith.constant dense<0.000000e+00> : vector<1x128xf32>
      %dot_general3A_142 = tpu.matmul %while3A_67#2, %convert_element_type3A_140, %dot_general3A_141 {dimension_numbers = #tpu.dot_dimension_numbers<[1], [0], [0], [1], [0, 0, 1, 1], [], []>, transpose_lhs_hint = false} : vector<1x128xf32>, vector<128x128xf32>, vector<1x128xf32> -> vector<1x128xf32>
      %get3A_143 = arith.index_cast %while3A_82 : i32 to index
      %get3A_144 = arith.constant 0 : index
      %get3A_145 = vector.load %arg6[%get3A_143, %get3A_144] : memref<47x128xf32, #tpu.memory_space<vmem>>, vector<1x128xf32>
      %eq3A_146 = arith.constant 0.000000e+00 : f32
      %eq3A_147 = vector.broadcast %eq3A_146 : f32 to vector<1x128xf32>
      %eq3A_148 = arith.cmpf oeq, %dot_general3A_142, %eq3A_147 : vector<1x128xf32>
      %convert_element_type3A_149 = arith.extui %eq3A_148 : vector<1x128xi1> to vector<1x128xi32>
      %convert_element_type3A_150 = arith.sitofp %convert_element_type3A_149 : vector<1x128xi32> to vector<1x128xf32>
      %mul3A_151 = arith.mulf %get3A_145, %convert_element_type3A_150 : vector<1x128xf32>
      %swap3A_152 = arith.index_cast %while3A_82 : i32 to index
      %swap3A_153 = arith.constant 0 : index
      %swap3A_154 = vector.load %arg6[%swap3A_152, %swap3A_153] : memref<47x128xf32, #tpu.memory_space<vmem>>, vector<1x128xf32>
      tpu.vector_store %arg6[%swap3A_152, %swap3A_153], %mul3A_151 {strides = array<i32>} : memref<47x128xf32, #tpu.memory_space<vmem>>, vector<1x128xf32>,
    }
    return
  }
  func.func @transform_0(%arg0: i32) -> (i32, i32) {
    %c0_i32 = arith.constant 0 : i32
    %c0_i32_0 = arith.constant 0 : i32
    %c0_i32_1 = arith.constant 0 : i32
    return %c0_i32, %c0_i32_0 : i32, i32
  }
  func.func @transform_1(%arg0: i32) -> (i32, i32) {
    %c0_i32 = arith.constant 0 : i32
    %c0_i32_0 = arith.constant 0 : i32
    %c0_i32_1 = arith.constant 0 : i32
    return %c0_i32, %c0_i32_0 : i32, i32
  }
  func.func @transform_2(%arg0: i32) -> (i32, i32) {
    %c0_i32 = arith.constant 0 : i32
    %c0_i32_0 = arith.constant 0 : i32
    %c0_i32_1 = arith.constant 0 : i32
    return %c0_i32, %c0_i32_0 : i32, i32
  }
  func.func @transform_3(%arg0: i32) -> (i32, i32) {
    %c0_i32 = arith.constant 0 : i32
    %c0_i32_0 = arith.constant 0 : i32
    %c0_i32_1 = arith.constant 0 : i32
    return %c0_i32, %c0_i32_0 : i32, i32
  }
  func.func @transform_4(%arg0: i32) -> (i32, i32) {
    %c0_i32 = arith.constant 0 : i32
    %c0_i32_0 = arith.constant 0 : i32
    %c0_i32_1 = arith.constant 0 : i32
    return %c0_i32, %c0_i32_0 : i32, i32
  }
  func.func @transform_5(%arg0: i32) -> (i32, i32) {
    %c0_i32 = arith.constant 0 : i32
    %c0_i32_0 = arith.constant 0 : i32
    %c0_i32_1 = arith.constant 0 : i32
    return %c0_i32, %c0_i32_0 : i32, i32
  }
}

</mosaic_0001>

<sc_bundles>
// kernel: kernel.10.cloned.1.call-start
scs
__scs_entry_jumppad:
0x0: {  	(pc) =	sbr.rel $0x88, $3  }
0x1: {  	(tag) =	ssettag $0x0;
	lr =	simm.s32 $0x1  }
0x2: {  	[smem:$0x3F98] =	sst lr;
	_ =	strace $0xD0000000  }
0x3: {  	_ = 	snop  }
0x4: {  	_ = 	snop  }
0x5: {  	_ = 	snop  }
0x6: {  	_ = 	snop  }
0x7: {  	_ = 	snop  }
__scs_overlays_trampoline_lowered:
0x8: {  	[smem:$0x3FA7] =	sst s0  }
0x9: {  	[smem:$0x3FA8] =	sst s1  }
0xa: {  	[smem:$0x3FA9] =	sst s2  }
0xb: {  	[smem:$0x3FAA] =	sst s3  }
0xc: {  	[smem:$0x3FAB] =	sst s4  }
0xd: {  	[smem:$0x3FAC] =	sst s5  }
0xe: {  	[smem:$0x3FAD] =	sst s6  }
0xf: {  	[smem:$0x3FAE] =	sst s7  }
0x10: {  	[smem:$0x3FAF] =	sst s8  }
0x11: {  	[smem:$0x3FB0] =	sst s9;
	s0 =	simm.s32 @!p0 $0x0  }
0x12: {  	s1 =	sld [smem:$0x3F96];
	s0 =	simm.s32 @p0 $0x1  }
0x13: {  	[smem:$0x3FB1] =	sst s0;
	s0 =	simm.s32 @!p1 $0x0  }
0x14: {  	s2 =	sld [smem:$0x3F95];
	s0 =	simm.s32 @p1 $0x1  }
0x15: {  	[smem:$0x3FB2] =	sst s0;
	s0 =	simm.s32 @!p2 $0x0  }
0x16: {  	s3 =	sld [smem:$0x3FDB];
	s0 =	simm.s32 @p2 $0x1  }
0x17: {  	s4 =	simm.s32 $0x1BF5;
	[smem:$0x3FB4] =	sst s0  }
0x18: {  	s0 =	sld [smem:$0x3F97];
	_ =	swait.ge [sflag:s4], $0x0  }
0x19: {  	s7 =	sld [smem:$0x3F98]  }
0x1a: {  	s8 =	sadd.s32 $0xFFFFE003, lr  }
0x1b: {  	s9 =	sadd.s32 $0xFFFFFEF7, lr;
	s5 =	simm.s32 $0xFFFFFFFF;
	p2 =	slt.u32 s8, $0xFFFFF086  }
0x1c: {  	p1 =	slt.u32 s9, $0xF7A;
	s5 =	simm.s32 @!p2 $0x0  }
0x1d: {  	s5 =	simm.s32 @p1 $0x1;
	p0 =	seq.s32 s7, s2  }
0x1e: {  	s7 =	smul.u32 @!p0 $0xF7A, s2;
	p2 =	seq.s32 @!p0 s5, $0x0  }
0x1f: {  	s9 =	smul.u32 $0xF7A, s1;
	s8 =	simm.s32 @!p0 $0x1BF5;
	p2 =	por !p2, p0  }
0x20: {  	[sflag:s8] =	ssyncset.s32 @!p0 $0xFFFFF086;
	s6 =	sadd.s32 @!p0 s3, s7;
	s7 =	simm.s32 @!p0 $0x108  }
0x21: {  	s3 =	sadd.s32 s3, s9;
	s6 =	sadd.s32 @!p0 $0x88, s6;
	s7 =	simm.s32 @p2 $0x1082  }
0x22: {  	[simem:s7], [sflag:s8] =	dma.local @!p0 [hbm:s6], $0xF7A  }
0x23: {  	s9 =	sor.u32 $0xD0000000, s2;
	s6 =	simm.s32 $0x108;
	_ =	swait.ge @!p0 [sflag:s8], $0x0  }
0x24: {  	s3 =	sadd.s32 $0x88, s3;
	s6 =	simm.s32 @!p1 $0x1082;
	[sflag:s4] =	ssyncset.s32 $0xFFFFF086  }
0x25: {  	[simem:s6], [sflag:s4] =	dma.local [hbm:s3], $0xF7A  }
0x26: {  	[smem:$0x3F98] =	sst s1;
	(tag) =	ssettag s2;
	_ =	strace s9  }
0x27: {  	s1 =	sld [smem:$0x3FA8]  }
0x28: {  	s2 =	sld [smem:$0x3FA9]  }
0x29: {  	s4 =	sld [smem:$0x3FAB]  }
0x2a: {  	p0 =	seq.s32 s5, $0x0;
	s5 =	sld [smem:$0x3FAC]  }
0x2b: {  	s6 =	sld [smem:$0x3FAD]  }
0x2c: {  	s7 =	sld [smem:$0x3FAE]  }
0x2d: {  	s3 =	simm.s32 $0x108;
	s8 =	sld [smem:$0x3FAF]  }
0x2e: {  	s3 =	simm.s32 @!p0 $0x1082;
	s9 =	sld [smem:$0x3FB0]  }
0x2f: {  	lr =	sadd.s32 s0, s3;
	s0 =	sld [smem:$0x3FA7]  }
0x30: {  	s3 =	sld [smem:$0x3FAA]  }
0x31: {  	[smem:$0x3FB3] =	sst s10  }
0x32: {  	s10 =	sld [smem:$0x3FB1];
	_ =	sdelay $0x3  }
0x33: {  	p0 =	seq.s32 s10, $0x1;
	s10 =	sld [smem:$0x3FB3];
	_ =	sdelay $0x3  }
0x34: {  	[smem:$0x3FB3] =	sst s10  }
0x35: {  	s10 =	sld [smem:$0x3FB2];
	_ =	sdelay $0x3  }
0x36: {  	p1 =	seq.s32 s10, $0x1;
	s10 =	sld [smem:$0x3FB3];
	_ =	sdelay $0x3  }
0x37: {  	[smem:$0x3FB3] =	sst s10  }
0x38: {  	s10 =	sld [smem:$0x3FB4]  }
0x39: {  	_ = 	snop;
	(pc) =	sbr.ind lr, $3  }
0x3a: {  	_ = 	snop  }
0x3b: {  	_ = 	snop  }
0x3c: {  	p2 =	seq.s32 s10, $0x1;
	s10 =	sld [smem:$0x3FB3]  }
0x3d: {  	_ =	shalt  }
0x3e: {  	_ =	shalt  }
0x3f: {  	_ =	shalt  }
0x40: {  	_ =	shalt  }
0x41: {  	_ =	shalt  }
0x42: {  	_ =	shalt  }
0x43: {  	_ =	shalt  }
0x44: {  	_ =	shalt  }
0x45: {  	_ =	shalt  }
0x46: {  	_ =	shalt  }
0x47: {  	_ =	shalt  }
0x48: {  	_ =	shalt  }
0x49: {  	_ =	shalt  }
0x4a: {  	_ =	shalt  }
0x4b: {  	_ =	shalt  }
0x4c: {  	_ =	shalt  }
0x4d: {  	_ =	shalt  }
0x4e: {  	_ =	shalt  }
0x4f: {  	_ =	shalt  }
0x50: {  	_ =	shalt  }
0x51: {  	_ =	shalt  }
0x52: {  	_ =	shalt  }
0x53: {  	_ =	shalt  }
0x54: {  	_ =	shalt  }
0x55: {  	_ =	shalt  }
0x56: {  	_ =	shalt  }
0x57: {  	_ =	shalt  }
0x58: {  	_ =	shalt  }
0x59: {  	_ =	shalt  }
0x5a: {  	_ =	shalt  }
0x5b: {  	_ =	shalt  }
0x5c: {  	_ =	shalt  }
0x5d: {  	_ =	shalt  }
0x5e: {  	_ =	shalt  }
0x5f: {  	_ =	shalt  }
0x60: {  	_ =	shalt  }
0x61: {  	_ =	shalt  }
0x62: {  	_ =	shalt  }
0x63: {  	_ =	shalt  }
0x64: {  	_ =	shalt  }
0x65: {  	_ =	shalt  }
0x66: {  	_ =	shalt  }
0x67: {  	_ =	shalt  }
0x68: {  	_ =	shalt  }
0x69: {  	_ =	shalt  }
0x6a: {  	_ =	shalt  }
0x6b: {  	_ =	shalt  }
0x6c: {  	_ =	shalt  }
0x6d: {  	_ =	shalt  }
0x6e: {  	_ =	shalt  }
0x6f: {  	_ =	shalt  }
0x70: {  	_ =	shalt  }
0x71: {  	_ =	shalt  }
0x72: {  	_ =	shalt  }
0x73: {  	_ =	shalt  }
0x74: {  	_ =	shalt  }
0x75: {  	_ =	shalt  }
0x76: {  	_ =	shalt  }
0x77: {  	_ =	shalt  }
0x78: {  	_ =	shalt  }
0x79: {  	_ =	shalt  }
0x7a: {  	_ =	shalt  }
0x7b: {  	_ =	shalt  }
0x7c: {  	_ =	shalt  }
0x7d: {  	_ =	shalt  }
0x7e: {  	_ =	shalt  }
0x7f: {  	_ =	shalt  }
0x80: {  	_ =	shalt  }
0x81: {  	_ =	shalt  }
0x82: {  	_ =	shalt  }
0x83: {  	_ =	shalt  }
0x84: {  	_ =	shalt  }
0x85: {  	_ =	shalt  }
0x86: {  	_ =	shalt  }
0x87: {  	_ =	shalt  }
.Lfunc_end0:
.L_simem_size_0:
called_computation.1_lowered:
.L_overlay_start_0:
0x88: {  	s2 =	sld [smem:$0x3FD9]  }
0x89: {  	s3 =	sld [smem:$0x3FFE];
	_ =	sdelay $0x1  }
0x8a: {  	s1 =	srdreg.scid  }
0x8b: {  	s0 =	sand.u32 $0x1, s1  }
0x8c: {  	s17 =	sshll.u32 s0, $0xA;
	s2 =	sadd.s32 s3, s2  }
0x8d: {  	s2 =	sadd.s32 s2, s17  }
0x8e: {  	[smem:$0x3FBF] =	sst s2  }
0x8f: {  	_ = 	snop  }
0x90: {  	s2 =	sld [smem:$0x3FD0];
	(tm) =	ssettm $0x1  }
0x91: {  	s18 =	sld [smem:$0x3FFB];
	_ =	sdelay $0x3  }
0x92: {  	_ =	strace s18  }
0x93: {  	s3 =	sld [smem:$0x3FFC];
	_ =	sdelay $0x3  }
0x94: {  	_ =	strace s3  }
0x95: {  	s3 =	sld [smem:$0x3FFD];
	_ =	sdelay $0x3  }
0x96: {  	_ =	strace s3  }
0x97: {  	_ =	strace $0x8FFFFFFF  }
0x98: {  	s19 =	sld [smem:$0x3FDB];
	_ =	sdelay $0x1  }
0x99: {  	s4 =	simm.s32 $_scs_section_size  }
0x9a: {  	s5 =	simm.s32 $_size__tile_overlayer_lowered;
	s6 =	simm.s32 $_tile_overlayer_lowered  }
0x9b: {  	s22 =	simm.s32 $0x1BFF;
	s21 =	sshll.u32 s6, $0x1;
	s3 =	sadd.s32 s4, s19  }
0x9c: {  	s7 =	simm.s32 $0x0;
	s20 =	sshll.u32 s5, $0x1;
	s5 =	sadd.s32 s21, s3  }
0x9d: {  	[timem:s7], [sflag:s22] =	dma.local [hbm:s5], s20  }
0x9e: {  	_ =	swait.ge [sflag:s22], s20  }
0x9f: {  	s4 =	ssub.s32 $0x0, s20;
	[sflag:s22] =	ssyncset.done $0x0  }
0xa0: {  	[sflag:s22] =	ssyncadd.s32 s4;
	_ =	sdelay $0x1  }
0xa1: {  	s23 =	simm.s32 $0x1B8B  }
0xa2: {  	_ =	swait.ge [sflag:s23], $0x1  }
0xa3: {  	[sflag:s23] =	ssyncset.done $0x0  }
0xa4: {  	s25 =	simm.s32 $0x1B8E;
	s24 =	sld [smem:$0x3FFE];
	[sflag:s23] =	ssyncadd.s32 $0xFFFFFFFF  }
0xa5: {  	s26 =	simm.s32 $execute0_lowered;
	[smem:$0x3FD2] =	sst s25  }
0xa6: {  	s5 =	sshll.u32 s26, $0x1;
	_ =	strace $0x80000049;
	[dreg:$0x1] =	wrdreg $0xFFFFFFFF  }
0xa7: {  	s28 =	simm.s32 $_size_execute0_lowered;
	s3 =	sadd.s32 s3, s5;
	[dreg:$0x0] =	wrdreg $0x0  }
0xa8: {  	s5 =	sshll.u32 s28, $0x1;
	[dreg:$0x2] =	wrdreg s3  }
0xa9: {  	[dreg:$0x3] =	wrdreg s5  }
0xaa: {  	[dreg:$0x4] =	wrdreg $0xC0  }
0xab: {  	_ =	task [dreg:s7], $0x5FFFF  }
0xac: {  	[dreg:$0x1] =	wrdreg $0xFFFFFFFF  }
0xad: {  	[dreg:$0x0] =	wrdreg $0x60  }
0xae: {  	[dreg:$0x2] =	wrdreg s2  }
0xaf: {  	[dreg:$0x3] =	wrdreg s24  }
0xb0: {  	[dreg:$0x4] =	wrdreg $0x9  }
0xb1: {  	_ =	task.clear_ibuf [dreg:s7], $0x5FFFF;
	_ =	strace $0x90000049  }
0xb2: {  	s29 =	simm.s32 $0x9;
	_ =	strace $0x8000004B  }
0xb3: {  	_ =	swait.ge [sflag:s29], $0x1  }
0xb4: {  	[sflag:s29] =	ssyncadd.s32 $0xFFFFFFFF  }
0xb5: {  	_ =	strace $0x9000004B  }
0xb6: {  	_ =	sfence  }
0xb7: {  	s30 =	sld [smem:$0x0];
	_ =	sdelay $0x2  }
0xb8: {  	s31 =	sshll.u32 s1, $0xD;
	s1 =	sshrl.u32 s1, $0x2  }
0xb9: {  	s3 =	sand.u32 $0x4000, s31;
	s1 =	sadd.s32 s1, s30  }
0xba: {  	s0 =	sor.u32 s3, s0;
	s1 =	sshll.u32 s1, $0x11  }
0xbb: {  	s0 =	sor.u32 s1, s0  }
0xbc: {  	s0 =	sadd.s32 $0x8F2B, s0  }
0xbd: {  	[sflag:s0] =	ssyncadd.remote.s32 $0x1  }
0xbe: {  	_ =	sfence.sel $0xFFFF  }
0xbf: {  	[dreg:$0x0] =	wrdreg $0xFFFFFFFF;
	(pc) =	sbr.abs _section_cstart, $3  }
0xc0: {  	[dreg:$0x1] =	wrdreg $0xFFFFFFFF  }
0xc1: {  	_ =	task.clear_ibuf [dreg:s7], $0x2FFFF;
	_ =	strace $0x9FFFFFFF  }
0xc2: {  	(tm) =	ssettm $0x7FFFFFFF  }
0xc3: {  	_ =	shalt  }
tec
execute0_lowered:
.L_overlay_start_1:
0x0: {  	(tag) =	ssettag $0x1  }
0x1: {  	s0 =	srdreg.scid  }
0x2: {  	s7 =	sand.u32 $0x1, s0;
	s0 =	stileid.u32  }
0x3: {  	s3 =	sshll.u32 s0, $0x1;
	s4 =	ssub.s32 $0x0, s7  }
0x4: {  	p0 =	sne.s32 s3, s4  }
.Ltmp0:
0x5: {  	_ = 	snop;
	(pc) =	sbr.rel @p0 .LBB2_7-.Ltmp0, $4  }
0x6: {  	_ = 	snop  }
0x7: {  	s2 =	rddreg [dreg:$0x0]  }
0x8: {  	s10 =	rddreg [dreg:$0x1]  }
0x9: {  	s1 =	rddreg [dreg:$0x2];
	_ =	strace $0x8000004A  }
0xa: {  	s3 =	sadd.s32 $0x5200, s10;
	s4 =	sadd.s32 $0x5600, s10  }
0xb: {  	s5 =	sadd.s32 $0x5A00, s10;
	s6 =	sadd.s32 $0x5E00, s10;
	s11 =	ssub.s32 $0x2, s7  }
0xc: {  	s7 =	sadd.s32 $0x3A00, s10;
	s8 =	sadd.s32 $0x3C00, s10;
	s9 =	sadd.s32 $0x3E00, s10  }
0xd: {  	s10 =	sadd.s32 $0x4000, s10;
	s13 =	simm.s32 $0x1;
	s14 =	simm.s32 $0x1780  }
0xe: {  	s15 =	simm.s32 $0x2F00;
	s16 =	simm.s32 $0x4680;
	s17 =	simm.s32 $0x5E00  }
0xf: {  	s18 =	simm.s32 $0x7580;
	s19 =	simm.s32 $0x7D80;
	s12 =	sshrl.u32 s11, $0x1  }
0x10: {  	s20 =	simm.s32 $0x8580;
	s21 =	simm.s32 $0x8D80;
	s11 =	ssub.s32 s11, s12  }
0x11: {  	v0 =	vimm.s32 $0x0;
	s22 =	simm.s32 $0x0;
	s12 =	simm.s32 $0x0;
	s11 =	smax.u32 s11, $0x1  }
.LBB2_2:
0x12: {  	[tilespmem:s12], [sflag:$0x1] =	stream.linear.gather [hbm4b:s2+s12], $0x1780, $0x38;
	[tilespmem:$0x9580] =	vst v63  }
0x13: {  	_ =	swait.ge [sflag:s13], $0x1780  }
0x14: {  	[sflag:s13] =	ssyncset.done $0x0  }
0x15: {  	[sflag:s13] =	ssyncadd.s32 $0xFFFFE880  }
0x16: {  	[tilespmem:s14], [sflag:$0x1] =	stream.linear.gather [hbm4b:s3+s12], $0x1780, $0x38;
	[tilespmem:$0x9580] =	vst v63  }
0x17: {  	_ =	swait.ge [sflag:s13], $0x1780  }
0x18: {  	[sflag:s13] =	ssyncset.done $0x0  }
0x19: {  	[sflag:s13] =	ssyncadd.s32 $0xFFFFE880  }
0x1a: {  	[tilespmem:s15], [sflag:$0x1] =	stream.linear.gather [hbm4b:s4+s12], $0x1780, $0x38;
	[tilespmem:$0x9580] =	vst v63  }
0x1b: {  	_ =	swait.ge [sflag:s13], $0x1780  }
0x1c: {  	[sflag:s13] =	ssyncset.done $0x0  }
0x1d: {  	[sflag:s13] =	ssyncadd.s32 $0xFFFFE880  }
0x1e: {  	[tilespmem:s16], [sflag:$0x1] =	stream.linear.gather [hbm4b:s5+s12], $0x1780, $0x38;
	[tilespmem:$0x9580] =	vst v63  }
0x1f: {  	_ =	swait.ge [sflag:s13], $0x1780  }
0x20: {  	[sflag:s13] =	ssyncset.done $0x0  }
0x21: {  	[sflag:s13] =	ssyncadd.s32 $0xFFFFE880  }
0x22: {  	[tilespmem:s17], [sflag:$0x1] =	stream.linear.gather [hbm4b:s6+s12], $0x1780, $0x38;
	[tilespmem:$0x9580] =	vst v63  }
0x23: {  	_ =	swait.ge [sflag:s13], $0x1780  }
0x24: {  	[sflag:s13] =	ssyncset.done $0x0  }
0x25: {  	[sflag:s13] =	ssyncadd.s32 $0xFFFFE880  }
0x26: {  	v3 =	vld.msk [tilespmem:$0x1780 ss:$0x0], $0xffff  }
0x27: {  	v4 =	vld.msk [tilespmem:$0x2F00 ss:$0x0], $0xffff  }
0x28: {  	v2 =	vld.msk [tilespmem:$0x4680 ss:$0x0], $0xffff  }
0x29: {  	v1 =	vld.msk [tilespmem:$0x5E00 ss:$0x0], $0xffff  }
0x2a: {  	s25 =	simm.s32 $0x75A0  }
0x2b: {  	s26 =	simm.s32 $0x7DA0;
	[tilespmem:s25+$0xFFFFFFE0] =	vst v3  }
0x2c: {  	s23 =	simm.s32 $0x85A0;
	[tilespmem:s26+$0xFFFFFFE0] =	vst v4  }
0x2d: {  	s24 =	simm.s32 $0x8DA0;
	[tilespmem:s23+$0xFFFFFFE0] =	vst v2  }
0x2e: {  	[tilespmem:s24+$0xFFFFFFE0] =	vst v1  }
0x2f: {  	[tilespmem:s25+$0xFFFFFFF0] =	vst v3  }
0x30: {  	[tilespmem:s26+$0xFFFFFFF0] =	vst v4  }
0x31: {  	[tilespmem:s23+$0xFFFFFFF0] =	vst v2  }
0x32: {  	[tilespmem:s24+$0xFFFFFFF0] =	vst v1  }
0x33: {  	[tilespmem:s25+$0x0] =	vst v3  }
0x34: {  	[tilespmem:s26+$0x0] =	vst v4  }
0x35: {  	[tilespmem:s23+$0x0] =	vst v2  }
0x36: {  	[tilespmem:s24+$0x0] =	vst v1  }
0x37: {  	[tilespmem:s25+$0x10] =	vst v3  }
0x38: {  	[tilespmem:s26+$0x10] =	vst v4  }
0x39: {  	s28 =	simm.s32 $0x75E0;
	s25 =	simm.s32 $0x0;
	s26 =	simm.s32 $0x7DE0;
	[tilespmem:s23+$0x10] =	vst v2  }
.LBB2_3:
0x3a: {  	s25 =	sadd.s32 $0x4, s25;
	[tilespmem:s24+$0x10] =	vst v1;
	s24 =	sadd.s32 $0x40, s24;
	s23 =	sadd.s32 $0x40, s23  }
0x3b: {  	[tilespmem:s28+$0xFFFFFFE0] =	vst v3;
	p0 =	slt.u32 s25, $0x78  }
0x3c: {  	[tilespmem:s26+$0xFFFFFFE0] =	vst v4  }
0x3d: {  	[tilespmem:s23+$0xFFFFFFE0] =	vst v2  }
0x3e: {  	[tilespmem:s24+$0xFFFFFFE0] =	vst v1  }
0x3f: {  	[tilespmem:s28+$0xFFFFFFF0] =	vst v3  }
0x40: {  	[tilespmem:s26+$0xFFFFFFF0] =	vst v4  }
0x41: {  	[tilespmem:s23+$0xFFFFFFF0] =	vst v2  }
0x42: {  	[tilespmem:s24+$0xFFFFFFF0] =	vst v1  }
0x43: {  	[tilespmem:s28+$0x0] =	vst v3  }
0x44: {  	[tilespmem:s26+$0x0] =	vst v4  }
.Ltmp1:
0x45: {  	[tilespmem:s23+$0x0] =	vst v2;
	(pc) =	sbr.rel @p0 .LBB2_3-.Ltmp1, $4  }
0x46: {  	[tilespmem:s24+$0x0] =	vst v1  }
0x47: {  	[tilespmem:s28+$0x10] =	vst v3  }
0x48: {  	[tilespmem:s26+$0x10] =	vst v4  }
0x49: {  	s28 =	sadd.s32 $0x40, s28;
	s26 =	sadd.s32 $0x40, s26;
	[tilespmem:s23+$0x10] =	vst v2  }
0x4a: {  	[tilespmem:s24+$0x10] =	vst v1  }
0x4b: {  	[tilespmem:$0x7D40] =	vst v3  }
0x4c: {  	s30 =	simm.s32 $0x0;
	[tilespmem:$0x8540] =	vst v4  }
0x4d: {  	s23 =	simm.s32 $0xFFFFFFFC;
	s24 =	simm.s32 $0x5E20;
	s25 =	simm.s32 $0x46A0;
	[tilespmem:$0x8D40] =	vst v2  }
0x4e: {  	s26 =	simm.s32 $0x2F20;
	s28 =	simm.s32 $0x17A0;
	s29 =	simm.s32 $0x20;
	[tilespmem:$0x9540] =	vst v1  }
.LBB2_5:
0x4f: {  	v1 =	vld [tilespmem:s29+$0xFFFFFFE0];
	_ =	sdelay $0x4  }
0x50: {  	vm0 =	vgt.f32 v1, $5.000000000e-01  }
0x51: {  	v1 =	vsel vm0, $0x1, v0  }
0x52: {  	(xrf0) =	vadd.scan.msk.s32 $0xffff, v1;
	_ =	sdelay $0x2  }
0x53: {  	v1 =	vmov s30  }
0x54: {  	v1 =	vadd.s32 $0xFFFFFFFF, v1  }
0x55: {  	v1 =	vbroadcast v1, $0x0  }
0x56: {  	v2, _, _ =	vpop (xrf0)  }
0x57: {  	v1 =	vadd.s32 v2, v1  }
0x58: {  	vm1 =	vlt.s32 v1, $0x7D0;
	vm2 =	vgt.s32 v1, $0x0  }
0x59: {  	vm0 =	vmand vm0, vm1;
	v1 =	vnsel vm2, $0x0, v1  }
0x5a: {  	v3 =	vld [tilespmem:s28+$0xFFFFFFE0];
	v1 =	vmin.u32 v1, $0x7CF;
	_ =	sdelay $0x4  }
0x5b: {  	[tilespmem:v1+s18+$0x0] =	vst.idx.msk vm0, v3  }
0x5c: {  	v3 =	vld [tilespmem:s26+$0xFFFFFFE0];
	_ =	sdelay $0x4  }
0x5d: {  	[tilespmem:v1+s19+$0x0] =	vst.idx.msk vm0, v3  }
0x5e: {  	v3 =	vld [tilespmem:s25+$0xFFFFFFE0];
	_ =	sdelay $0x4  }
0x5f: {  	(v2sf) =	vpush v2, $0xF;
	[tilespmem:v1+s20+$0x0] =	vst.idx.msk vm0, v3  }
0x60: {  	v2 =	vld [tilespmem:s24+$0xFFFFFFE0];
	_ =	sdelay $0x4  }
0x61: {  	[tilespmem:v1+s21+$0x0] =	vst.idx.msk vm0, v2  }
0x62: {  	v1 =	vld [tilespmem:s29+$0xFFFFFFF0];
	_ =	sdelay $0x4  }
0x63: {  	vm7 =	vgt.f32 v1, $5.000000000e-01  }
0x64: {  	v1 =	vsel vm7, $0x1, v0  }
0x65: {  	(xrf0) =	vadd.scan.msk.s32 $0xffff, v1  }
0x66: {  	s31 =	spop (v2sf)  }
0x67: {  	s30 =	sadd.s32 s30, s31  }
0x68: {  	v1 =	vmov s30  }
0x69: {  	v1 =	vadd.s32 $0xFFFFFFFF, v1  }
0x6a: {  	v1 =	vbroadcast v1, $0x0  }
0x6b: {  	v2, _, _ =	vpop (xrf0)  }
0x6c: {  	v1 =	vadd.s32 v2, v1  }
0x6d: {  	vm8 =	vlt.s32 v1, $0x7D0;
	vm9 =	vgt.s32 v1, $0x0  }
0x6e: {  	vm0 =	vmand vm7, vm8;
	v1 =	vnsel vm9, $0x0, v1  }
0x6f: {  	v3 =	vld [tilespmem:s28+$0xFFFFFFF0];
	v1 =	vmin.u32 v1, $0x7CF;
	_ =	sdelay $0x4  }
0x70: {  	[tilespmem:v1+s18+$0x0] =	vst.idx.msk vm0, v3  }
0x71: {  	v3 =	vld [tilespmem:s26+$0xFFFFFFF0];
	_ =	sdelay $0x4  }
0x72: {  	[tilespmem:v1+s19+$0x0] =	vst.idx.msk vm0, v3  }
0x73: {  	v3 =	vld [tilespmem:s25+$0xFFFFFFF0];
	_ =	sdelay $0x4  }
0x74: {  	(v2sf) =	vpush v2, $0xF;
	[tilespmem:v1+s20+$0x0] =	vst.idx.msk vm0, v3  }
0x75: {  	v2 =	vld [tilespmem:s24+$0xFFFFFFF0];
	_ =	sdelay $0x4  }
0x76: {  	[tilespmem:v1+s21+$0x0] =	vst.idx.msk vm0, v2  }
0x77: {  	v1 =	vld [tilespmem:s29+$0x0];
	_ =	sdelay $0x4  }
0x78: {  	vm10 =	vgt.f32 v1, $5.000000000e-01  }
0x79: {  	v1 =	vsel vm10, $0x1, v0  }
0x7a: {  	(xrf0) =	vadd.scan.msk.s32 $0xffff, v1  }
0x7b: {  	s31 =	spop (v2sf)  }
0x7c: {  	s30 =	sadd.s32 s30, s31  }
0x7d: {  	v1 =	vmov s30  }
0x7e: {  	v1 =	vadd.s32 $0xFFFFFFFF, v1  }
0x7f: {  	v1 =	vbroadcast v1, $0x0  }
0x80: {  	v2, _, _ =	vpop (xrf0)  }
0x81: {  	v1 =	vadd.s32 v2, v1  }
0x82: {  	vm11 =	vlt.s32 v1, $0x7D0;
	vm12 =	vgt.s32 v1, $0x0  }
0x83: {  	vm0 =	vmand vm10, vm11;
	v1 =	vnsel vm12, $0x0, v1  }
0x84: {  	v3 =	vld [tilespmem:s28+$0x0];
	v1 =	vmin.u32 v1, $0x7CF;
	_ =	sdelay $0x4  }
0x85: {  	[tilespmem:v1+s18+$0x0] =	vst.idx.msk vm0, v3  }
0x86: {  	v3 =	vld [tilespmem:s26+$0x0];
	_ =	sdelay $0x4  }
0x87: {  	[tilespmem:v1+s19+$0x0] =	vst.idx.msk vm0, v3  }
0x88: {  	v3 =	vld [tilespmem:s25+$0x0];
	_ =	sdelay $0x4  }
0x89: {  	(v2sf) =	vpush v2, $0xF;
	[tilespmem:v1+s20+$0x0] =	vst.idx.msk vm0, v3  }
0x8a: {  	v2 =	vld [tilespmem:s24+$0x0];
	_ =	sdelay $0x4  }
0x8b: {  	[tilespmem:v1+s21+$0x0] =	vst.idx.msk vm0, v2  }
0x8c: {  	v1 =	vld [tilespmem:s29+$0x10];
	_ =	sdelay $0x4  }
0x8d: {  	vm13 =	vgt.f32 v1, $5.000000000e-01  }
0x8e: {  	v1 =	vsel vm13, $0x1, v0  }
0x8f: {  	(xrf0) =	vadd.scan.msk.s32 $0xffff, v1  }
0x90: {  	s31 =	spop (v2sf)  }
0x91: {  	s30 =	sadd.s32 s30, s31  }
0x92: {  	v1 =	vmov s30  }
0x93: {  	v1 =	vadd.s32 $0xFFFFFFFF, v1  }
0x94: {  	v1 =	vbroadcast v1, $0x0  }
0x95: {  	v2, _, _ =	vpop (xrf0)  }
0x96: {  	v1 =	vadd.s32 v2, v1  }
0x97: {  	vm14 =	vlt.s32 v1, $0x7D0;
	vm15 =	vgt.s32 v1, $0x0  }
0x98: {  	vm0 =	vmand vm13, vm14;
	v1 =	vnsel vm15, $0x0, v1  }
0x99: {  	v3 =	vld [tilespmem:s28+$0x10];
	v1 =	vmin.u32 v1, $0x7CF;
	_ =	sdelay $0x4  }
0x9a: {  	[tilespmem:v1+s18+$0x0] =	vst.idx.msk vm0, v3  }
0x9b: {  	(v2sf) =	vpush v2, $0xF;
	v2 =	vld [tilespmem:s26+$0x10];
	_ =	sdelay $0x4  }
0x9c: {  	[tilespmem:v1+s19+$0x0] =	vst.idx.msk vm0, v2  }
0x9d: {  	v2 =	vld [tilespmem:s25+$0x10];
	_ =	sdelay $0x4  }
0x9e: {  	s23 =	sadd.s32 $0x4, s23;
	[tilespmem:v1+s20+$0x0] =	vst.idx.msk vm0, v2  }
0x9f: {  	p0 =	slt.u32 s23, $0x174;
	v2 =	vld [tilespmem:s24+$0x10]  }
.Ltmp2:
0xa0: {  	_ = 	snop;
	(pc) =	sbr.rel @p0 .LBB2_5-.Ltmp2, $4  }
0xa1: {  	_ = 	snop  }
0xa2: {  	s28 =	sadd.s32 $0x40, s28  }
0xa3: {  	s29 =	sadd.s32 $0x40, s29;
	s26 =	sadd.s32 $0x40, s26;
	s31 =	spop (v2sf)  }
0xa4: {  	s25 =	sadd.s32 $0x40, s25;
	s30 =	sadd.s32 s30, s31;
	s24 =	sadd.s32 $0x40, s24;
	[tilespmem:v1+s21+$0x0] =	vst.idx.msk vm0, v2  }
0xa5: {  	[hbm4b:s7+s12] =	stream.linear.scatter [tilespmem:s18], [sflag:$0x1], $0x800, $0x38;
	[tilespmem:$0x9580] =	vst v63  }
0xa6: {  	_ =	swait.ge [sflag:s13], $0x800  }
0xa7: {  	[sflag:s13] =	ssyncset.done $0x0  }
0xa8: {  	[sflag:s13] =	ssyncadd.s32 $0xFFFFF800  }
0xa9: {  	[hbm4b:s8+s12] =	stream.linear.scatter [tilespmem:s19], [sflag:$0x1], $0x800, $0x38;
	[tilespmem:$0x9580] =	vst v63  }
0xaa: {  	_ =	swait.ge [sflag:s13], $0x800  }
0xab: {  	[sflag:s13] =	ssyncset.done $0x0  }
0xac: {  	[sflag:s13] =	ssyncadd.s32 $0xFFFFF800  }
0xad: {  	[hbm4b:s9+s12] =	stream.linear.scatter [tilespmem:s20], [sflag:$0x1], $0x800, $0x38;
	[tilespmem:$0x9580] =	vst v63  }
0xae: {  	s22 =	sadd.s32 $0x1, s22;
	_ =	swait.ge [sflag:s13], $0x800  }
0xaf: {  	p0 =	sne.s32 s22, s11;
	[sflag:s13] =	ssyncset.done $0x0  }
.Ltmp3:
0xb0: {  	[sflag:s13] =	ssyncadd.s32 $0xFFFFF800;
	(pc) =	sbr.rel @p0 .LBB2_2-.Ltmp3, $4  }
0xb1: {  	[hbm4b:s10+s12] =	stream.linear.scatter [tilespmem:s21], [sflag:$0x1], $0x800, $0x38;
	[tilespmem:$0x9580] =	vst v63  }
0xb2: {  	_ =	swait.ge [sflag:s13], $0x800  }
0xb3: {  	[sflag:s13] =	ssyncset.done $0x0  }
0xb4: {  	[sflag:s13] =	ssyncadd.s32 $0xFFFFF800  }
.LBB2_7:
0xb5: {  	_ =	sfence.sel $0x180000  }
0xb6: {  	[bflag:$0x0] =	sbarrier.arrive $0xFFFF  }
0xb7: {  	p0 =	sne.s32 s0, $0x0;
	_ =	strace $0x9000004A  }
0xb8: {  	s0 =	sadd.s32 @!p0 $0x100000, s1;
	[bflag:$0x2] =	sbarrier.arrive $0xFFFF  }
0xb9: {  	[sflag:s0] =	ssyncadd.tile.s32 @!p0 $0x1;
	_ =	shalt  }
.Lfunc_end2:
_tile_overlayer_lowered:
.L_overlay_start_2:
0xba: {  	(tag) =	ssettag $0x2  }
0xbb: {  	s0 =	rddreg [dreg:$0x0];
	s2 =	stileid.u32  }
0xbc: {  	s1 =	rddreg [dreg:$0x1];
	p0 =	sne.s32 s2, $0x0  }
0xbd: {  	s3 =	rddreg [dreg:$0x2];
	[bflag:$0x3] =	sbarrier.arrive $0xFFFF;
	s2 =	simm.s32 @!p0 $0x1C01  }
0xbe: {  	[timem:s3], [sflag:s2] =	dma.local @!p0 [hbm:s0], s1  }
0xbf: {  	s0 =	simm.s32 @!p0 $0x1  }
0xc0: {  	_ =	swait.ge @!p0 [sflag:s0], s1  }
0xc1: {  	s1 =	ssub.s32 @!p0 $0x0, s1;
	[sflag:s0] =	ssyncset.done @!p0 $0x0  }
0xc2: {  	[sflag:s0] =	ssyncadd.s32 @!p0 s1  }
0xc3: {  	[bflag:$0x3] =	sbarrier.arrive $0xFFFF  }
0xc4: {  	_ =	shalt  }

// kernel: kernel.7.cloned.1.call-start
scs
__scs_entry_jumppad:
0x0: {  	(pc) =	sbr.rel $0x88, $3  }
0x1: {  	(tag) =	ssettag $0x0;
	lr =	simm.s32 $0x1  }
0x2: {  	[smem:$0x3F98] =	sst lr;
	_ =	strace $0xD0000000  }
0x3: {  	_ = 	snop  }
0x4: {  	_ = 	snop  }
0x5: {  	_ = 	snop  }
0x6: {  	_ = 	snop  }
0x7: {  	_ = 	snop  }
__scs_overlays_trampoline_lowered:
0x8: {  	[smem:$0x3FA7] =	sst s0  }
0x9: {  	[smem:$0x3FA8] =	sst s1  }
0xa: {  	[smem:$0x3FA9] =	sst s2  }
0xb: {  	[smem:$0x3FAA] =	sst s3  }
0xc: {  	[smem:$0x3FAB] =	sst s4  }
0xd: {  	[smem:$0x3FAC] =	sst s5  }
0xe: {  	[smem:$0x3FAD] =	sst s6  }
0xf: {  	[smem:$0x3FAE] =	sst s7  }
0x10: {  	[smem:$0x3FAF] =	sst s8  }
0x11: {  	[smem:$0x3FB0] =	sst s9;
	s0 =	simm.s32 @!p0 $0x0  }
0x12: {  	s1 =	sld [smem:$0x3F96];
	s0 =	simm.s32 @p0 $0x1  }
0x13: {  	[smem:$0x3FB1] =	sst s0;
	s0 =	simm.s32 @!p1 $0x0  }
0x14: {  	s2 =	sld [smem:$0x3F95];
	s0 =	simm.s32 @p1 $0x1  }
0x15: {  	[smem:$0x3FB2] =	sst s0;
	s0 =	simm.s32 @!p2 $0x0  }
0x16: {  	s3 =	sld [smem:$0x3FDB];
	s0 =	simm.s32 @p2 $0x1  }
0x17: {  	s4 =	simm.s32 $0x1BF5;
	[smem:$0x3FB4] =	sst s0  }
0x18: {  	s0 =	sld [smem:$0x3F97];
	_ =	swait.ge [sflag:s4], $0x0  }
0x19: {  	s7 =	sld [smem:$0x3F98]  }
0x1a: {  	s8 =	sadd.s32 $0xFFFFE003, lr  }
0x1b: {  	s9 =	sadd.s32 $0xFFFFFEF7, lr;
	s5 =	simm.s32 $0xFFFFFFFF;
	p2 =	slt.u32 s8, $0xFFFFF086  }
0x1c: {  	p1 =	slt.u32 s9, $0xF7A;
	s5 =	simm.s32 @!p2 $0x0  }
0x1d: {  	s5 =	simm.s32 @p1 $0x1;
	p0 =	seq.s32 s7, s2  }
0x1e: {  	s7 =	smul.u32 @!p0 $0xF7A, s2;
	p2 =	seq.s32 @!p0 s5, $0x0  }
0x1f: {  	s9 =	smul.u32 $0xF7A, s1;
	s8 =	simm.s32 @!p0 $0x1BF5;
	p2 =	por !p2, p0  }
0x20: {  	[sflag:s8] =	ssyncset.s32 @!p0 $0xFFFFF086;
	s6 =	sadd.s32 @!p0 s3, s7;
	s7 =	simm.s32 @!p0 $0x108  }
0x21: {  	s3 =	sadd.s32 s3, s9;
	s6 =	sadd.s32 @!p0 $0x88, s6;
	s7 =	simm.s32 @p2 $0x1082  }
0x22: {  	[simem:s7], [sflag:s8] =	dma.local @!p0 [hbm:s6], $0xF7A  }
0x23: {  	s9 =	sor.u32 $0xD0000000, s2;
	s6 =	simm.s32 $0x108;
	_ =	swait.ge @!p0 [sflag:s8], $0x0  }
0x24: {  	s3 =	sadd.s32 $0x88, s3;
	s6 =	simm.s32 @!p1 $0x1082;
	[sflag:s4] =	ssyncset.s32 $0xFFFFF086  }
0x25: {  	[simem:s6], [sflag:s4] =	dma.local [hbm:s3], $0xF7A  }
0x26: {  	[smem:$0x3F98] =	sst s1;
	(tag) =	ssettag s2;
	_ =	strace s9  }
0x27: {  	s1 =	sld [smem:$0x3FA8]  }
0x28: {  	s2 =	sld [smem:$0x3FA9]  }
0x29: {  	s4 =	sld [smem:$0x3FAB]  }
0x2a: {  	p0 =	seq.s32 s5, $0x0;
	s5 =	sld [smem:$0x3FAC]  }
0x2b: {  	s6 =	sld [smem:$0x3FAD]  }
0x2c: {  	s7 =	sld [smem:$0x3FAE]  }
0x2d: {  	s3 =	simm.s32 $0x108;
	s8 =	sld [smem:$0x3FAF]  }
0x2e: {  	s3 =	simm.s32 @!p0 $0x1082;
	s9 =	sld [smem:$0x3FB0]  }
0x2f: {  	lr =	sadd.s32 s0, s3;
	s0 =	sld [smem:$0x3FA7]  }
0x30: {  	s3 =	sld [smem:$0x3FAA]  }
0x31: {  	[smem:$0x3FB3] =	sst s10  }
0x32: {  	s10 =	sld [smem:$0x3FB1];
	_ =	sdelay $0x3  }
0x33: {  	p0 =	seq.s32 s10, $0x1;
	s10 =	sld [smem:$0x3FB3];
	_ =	sdelay $0x3  }
0x34: {  	[smem:$0x3FB3] =	sst s10  }
0x35: {  	s10 =	sld [smem:$0x3FB2];
	_ =	sdelay $0x3  }
0x36: {  	p1 =	seq.s32 s10, $0x1;
	s10 =	sld [smem:$0x3FB3];
	_ =	sdelay $0x3  }
0x37: {  	[smem:$0x3FB3] =	sst s10  }
0x38: {  	s10 =	sld [smem:$0x3FB4]  }
0x39: {  	_ = 	snop;
	(pc) =	sbr.ind lr, $3  }
0x3a: {  	_ = 	snop  }
0x3b: {  	_ = 	snop  }
0x3c: {  	p2 =	seq.s32 s10, $0x1;
	s10 =	sld [smem:$0x3FB3]  }
0x3d: {  	_ =	shalt  }
0x3e: {  	_ =	shalt  }
0x3f: {  	_ =	shalt  }
0x40: {  	_ =	shalt  }
0x41: {  	_ =	shalt  }
0x42: {  	_ =	shalt  }
0x43: {  	_ =	shalt  }
0x44: {  	_ =	shalt  }
0x45: {  	_ =	shalt  }
0x46: {  	_ =	shalt  }
0x47: {  	_ =	shalt  }
0x48: {  	_ =	shalt  }
0x49: {  	_ =	shalt  }
0x4a: {  	_ =	shalt  }
0x4b: {  	_ =	shalt  }
0x4c: {  	_ =	shalt  }
0x4d: {  	_ =	shalt  }
0x4e: {  	_ =	shalt  }
0x4f: {  	_ =	shalt  }
0x50: {  	_ =	shalt  }
0x51: {  	_ =	shalt  }
0x52: {  	_ =	shalt  }
0x53: {  	_ =	shalt  }
0x54: {  	_ =	shalt  }
0x55: {  	_ =	shalt  }
0x56: {  	_ =	shalt  }
0x57: {  	_ =	shalt  }
0x58: {  	_ =	shalt  }
0x59: {  	_ =	shalt  }
0x5a: {  	_ =	shalt  }
0x5b: {  	_ =	shalt  }
0x5c: {  	_ =	shalt  }
0x5d: {  	_ =	shalt  }
0x5e: {  	_ =	shalt  }
0x5f: {  	_ =	shalt  }
0x60: {  	_ =	shalt  }
0x61: {  	_ =	shalt  }
0x62: {  	_ =	shalt  }
0x63: {  	_ =	shalt  }
0x64: {  	_ =	shalt  }
0x65: {  	_ =	shalt  }
0x66: {  	_ =	shalt  }
0x67: {  	_ =	shalt  }
0x68: {  	_ =	shalt  }
0x69: {  	_ =	shalt  }
0x6a: {  	_ =	shalt  }
0x6b: {  	_ =	shalt  }
0x6c: {  	_ =	shalt  }
0x6d: {  	_ =	shalt  }
0x6e: {  	_ =	shalt  }
0x6f: {  	_ =	shalt  }
0x70: {  	_ =	shalt  }
0x71: {  	_ =	shalt  }
0x72: {  	_ =	shalt  }
0x73: {  	_ =	shalt  }
0x74: {  	_ =	shalt  }
0x75: {  	_ =	shalt  }
0x76: {  	_ =	shalt  }
0x77: {  	_ =	shalt  }
0x78: {  	_ =	shalt  }
0x79: {  	_ =	shalt  }
0x7a: {  	_ =	shalt  }
0x7b: {  	_ =	shalt  }
0x7c: {  	_ =	shalt  }
0x7d: {  	_ =	shalt  }
0x7e: {  	_ =	shalt  }
0x7f: {  	_ =	shalt  }
0x80: {  	_ =	shalt  }
0x81: {  	_ =	shalt  }
0x82: {  	_ =	shalt  }
0x83: {  	_ =	shalt  }
0x84: {  	_ =	shalt  }
0x85: {  	_ =	shalt  }
0x86: {  	_ =	shalt  }
0x87: {  	_ =	shalt  }
.Lfunc_end0:
.L_simem_size_0:
called_computation_lowered:
.L_overlay_start_0:
0x88: {  	s2 =	sld [smem:$0x3FD9]  }
0x89: {  	s3 =	sld [smem:$0x3FFE];
	_ =	sdelay $0x1  }
0x8a: {  	s1 =	srdreg.scid  }
0x8b: {  	s0 =	sand.u32 $0x1, s1  }
0x8c: {  	s17 =	sshll.u32 s0, $0xA;
	s2 =	sadd.s32 s3, s2  }
0x8d: {  	s2 =	sadd.s32 s2, s17  }
0x8e: {  	[smem:$0x3FBF] =	sst s2  }
0x8f: {  	_ = 	snop  }
0x90: {  	s2 =	sld [smem:$0x3FD0];
	(tm) =	ssettm $0x1  }
0x91: {  	s18 =	sld [smem:$0x3FFB];
	_ =	sdelay $0x3  }
0x92: {  	_ =	strace s18  }
0x93: {  	s3 =	sld [smem:$0x3FFC];
	_ =	sdelay $0x3  }
0x94: {  	_ =	strace s3  }
0x95: {  	s3 =	sld [smem:$0x3FFD];
	_ =	sdelay $0x3  }
0x96: {  	_ =	strace s3  }
0x97: {  	_ =	strace $0x8FFFFFFF  }
0x98: {  	s19 =	sld [smem:$0x3FDB];
	_ =	sdelay $0x1  }
0x99: {  	s4 =	simm.s32 $_scs_section_size  }
0x9a: {  	s5 =	simm.s32 $_size__tile_overlayer_lowered;
	s6 =	simm.s32 $_tile_overlayer_lowered  }
0x9b: {  	s22 =	simm.s32 $0x1BFF;
	s21 =	sshll.u32 s6, $0x1;
	s3 =	sadd.s32 s4, s19  }
0x9c: {  	s7 =	simm.s32 $0x0;
	s20 =	sshll.u32 s5, $0x1;
	s5 =	sadd.s32 s21, s3  }
0x9d: {  	[timem:s7], [sflag:s22] =	dma.local [hbm:s5], s20  }
0x9e: {  	_ =	swait.ge [sflag:s22], s20  }
0x9f: {  	s4 =	ssub.s32 $0x0, s20;
	[sflag:s22] =	ssyncset.done $0x0  }
0xa0: {  	[sflag:s22] =	ssyncadd.s32 s4;
	_ =	sdelay $0x1  }
0xa1: {  	s23 =	simm.s32 $0x1B8B  }
0xa2: {  	_ =	swait.ge [sflag:s23], $0x1  }
0xa3: {  	[sflag:s23] =	ssyncset.done $0x0  }
0xa4: {  	s25 =	simm.s32 $0x1B8E;
	s24 =	sld [smem:$0x3FFE];
	[sflag:s23] =	ssyncadd.s32 $0xFFFFFFFF  }
0xa5: {  	s26 =	simm.s32 $execute0_lowered;
	[smem:$0x3FD2] =	sst s25  }
0xa6: {  	s5 =	sshll.u32 s26, $0x1;
	_ =	strace $0x80000046;
	[dreg:$0x1] =	wrdreg $0xFFFFFFFF  }
0xa7: {  	s28 =	simm.s32 $_size_execute0_lowered;
	s3 =	sadd.s32 s3, s5;
	[dreg:$0x0] =	wrdreg $0x0  }
0xa8: {  	s5 =	sshll.u32 s28, $0x1;
	[dreg:$0x2] =	wrdreg s3  }
0xa9: {  	[dreg:$0x3] =	wrdreg s5  }
0xaa: {  	[dreg:$0x4] =	wrdreg $0xC0  }
0xab: {  	_ =	task [dreg:s7], $0x5FFFF  }
0xac: {  	[dreg:$0x1] =	wrdreg $0xFFFFFFFF  }
0xad: {  	[dreg:$0x0] =	wrdreg $0x60  }
0xae: {  	[dreg:$0x2] =	wrdreg s2  }
0xaf: {  	[dreg:$0x3] =	wrdreg s24  }
0xb0: {  	[dreg:$0x4] =	wrdreg $0x9  }
0xb1: {  	_ =	task.clear_ibuf [dreg:s7], $0x5FFFF;
	_ =	strace $0x90000046  }
0xb2: {  	s29 =	simm.s32 $0x9;
	_ =	strace $0x80000048  }
0xb3: {  	_ =	swait.ge [sflag:s29], $0x1  }
0xb4: {  	[sflag:s29] =	ssyncadd.s32 $0xFFFFFFFF  }
0xb5: {  	_ =	strace $0x90000048  }
0xb6: {  	_ =	sfence  }
0xb7: {  	s30 =	sld [smem:$0x0];
	_ =	sdelay $0x2  }
0xb8: {  	s31 =	sshll.u32 s1, $0xD;
	s1 =	sshrl.u32 s1, $0x2  }
0xb9: {  	s3 =	sand.u32 $0x4000, s31;
	s1 =	sadd.s32 s1, s30  }
0xba: {  	s0 =	sor.u32 s3, s0;
	s1 =	sshll.u32 s1, $0x11  }
0xbb: {  	s0 =	sor.u32 s1, s0  }
0xbc: {  	s0 =	sadd.s32 $0x8F2B, s0  }
0xbd: {  	[sflag:s0] =	ssyncadd.remote.s32 $0x1  }
0xbe: {  	_ =	sfence.sel $0xFFFF  }
0xbf: {  	[dreg:$0x0] =	wrdreg $0xFFFFFFFF;
	(pc) =	sbr.abs _section_cstart, $3  }
0xc0: {  	[dreg:$0x1] =	wrdreg $0xFFFFFFFF  }
0xc1: {  	_ =	task.clear_ibuf [dreg:s7], $0x2FFFF;
	_ =	strace $0x9FFFFFFF  }
0xc2: {  	(tm) =	ssettm $0x7FFFFFFF  }
0xc3: {  	_ =	shalt  }
tec
execute0_lowered:
.L_overlay_start_1:
0x0: {  	(tag) =	ssettag $0x1  }
0x1: {  	s0 =	srdreg.scid  }
0x2: {  	s7 =	sand.u32 $0x1, s0;
	s0 =	stileid.u32  }
0x3: {  	s3 =	sshll.u32 s0, $0x1;
	s4 =	ssub.s32 $0x0, s7  }
0x4: {  	p0 =	sne.s32 s3, s4  }
.Ltmp0:
0x5: {  	_ = 	snop;
	(pc) =	sbr.rel @p0 .LBB2_5-.Ltmp0, $4  }
0x6: {  	_ = 	snop  }
0x7: {  	s2 =	rddreg [dreg:$0x0]  }
0x8: {  	s10 =	rddreg [dreg:$0x1]  }
0x9: {  	s1 =	rddreg [dreg:$0x2];
	_ =	strace $0x80000047  }
0xa: {  	s3 =	sadd.s32 $0x3A00, s10;
	s4 =	sadd.s32 $0x4000, s10  }
0xb: {  	s5 =	sadd.s32 $0x4600, s10;
	s6 =	sadd.s32 $0x4C00, s10;
	s11 =	ssub.s32 $0x2, s7  }
0xc: {  	s7 =	sadd.s32 $0x5200, s10;
	s8 =	sadd.s32 $0x5600, s10;
	s9 =	sadd.s32 $0x5A00, s10  }
0xd: {  	s10 =	sadd.s32 $0x5E00, s10;
	s13 =	simm.s32 $0x1;
	s14 =	simm.s32 $0x2880  }
0xe: {  	s15 =	simm.s32 $0x5100;
	s16 =	simm.s32 $0x7980;
	s17 =	simm.s32 $0xA200  }
0xf: {  	s18 =	simm.s32 $0xCA80;
	s19 =	simm.s32 $0xE200;
	s12 =	sshrl.u32 s11, $0x1  }
0x10: {  	s20 =	simm.s32 $0xF980;
	s21 =	simm.s32 $0x11100;
	s11 =	ssub.s32 s11, s12  }
0x11: {  	s22 =	simm.s32 $0x0;
	s12 =	simm.s32 $0x0;
	s11 =	smax.u32 s11, $0x1  }
.LBB2_2:
0x12: {  	[tilespmem:s12], [sflag:$0x1] =	stream.linear.gather [hbm4b:s2+s12], $0x2880, $0x38;
	[tilespmem:$0x12880] =	vst v63  }
0x13: {  	_ =	swait.ge [sflag:s13], $0x2880  }
0x14: {  	[sflag:s13] =	ssyncset.done $0x0  }
0x15: {  	[sflag:s13] =	ssyncadd.s32 $0xFFFFD780  }
0x16: {  	[tilespmem:s14], [sflag:$0x1] =	stream.linear.gather [hbm4b:s3+s12], $0x2880, $0x38;
	[tilespmem:$0x12880] =	vst v63  }
0x17: {  	_ =	swait.ge [sflag:s13], $0x2880  }
0x18: {  	[sflag:s13] =	ssyncset.done $0x0  }
0x19: {  	[sflag:s13] =	ssyncadd.s32 $0xFFFFD780  }
0x1a: {  	[tilespmem:s15], [sflag:$0x1] =	stream.linear.gather [hbm4b:s4+s12], $0x2880, $0x38;
	[tilespmem:$0x12880] =	vst v63  }
0x1b: {  	_ =	swait.ge [sflag:s13], $0x2880  }
0x1c: {  	[sflag:s13] =	ssyncset.done $0x0  }
0x1d: {  	[sflag:s13] =	ssyncadd.s32 $0xFFFFD780  }
0x1e: {  	[tilespmem:s16], [sflag:$0x1] =	stream.linear.gather [hbm4b:s5+s12], $0x2880, $0x38;
	[tilespmem:$0x12880] =	vst v63  }
0x1f: {  	_ =	swait.ge [sflag:s13], $0x2880  }
0x20: {  	[sflag:s13] =	ssyncset.done $0x0  }
0x21: {  	[sflag:s13] =	ssyncadd.s32 $0xFFFFD780  }
0x22: {  	[tilespmem:s17], [sflag:$0x1] =	stream.linear.gather [hbm4b:s6+s12], $0x2880, $0x38;
	[tilespmem:$0x12880] =	vst v63  }
0x23: {  	s23 =	simm.s32 $0xFFFFFFFC;
	s24 =	simm.s32 $0xA220;
	_ =	swait.ge [sflag:s13], $0x2880  }
0x24: {  	s25 =	simm.s32 $0x79A0;
	s26 =	simm.s32 $0x5120;
	[sflag:s13] =	ssyncset.done $0x0  }
0x25: {  	s28 =	simm.s32 $0x28A0;
	s29 =	simm.s32 $0x20;
	[sflag:s13] =	ssyncadd.s32 $0xFFFFD780  }
.LBB2_3:
0x26: {  	v0 =	vld [tilespmem:s29+$0xFFFFFFE0];
	_ =	sdelay $0x4  }
0x27: {  	vm0 =	vlt.s32 v0, $0x1780;
	vm1 =	vlt.s32 v0, $0x177F  }
0x28: {  	v1 =	vld [tilespmem:s28+$0xFFFFFFE0];
	v0 =	vnsel vm1, $0x177F, v0;
	_ =	sdelay $0x4  }
0x29: {  	[tilespmem:v0+s18+$0x0] =	vst.idx.msk vm0, v1  }
0x2a: {  	v1 =	vld [tilespmem:s26+$0xFFFFFFE0];
	_ =	sdelay $0x4  }
0x2b: {  	[tilespmem:v0+s19+$0x0] =	vst.idx.msk vm0, v1  }
0x2c: {  	v1 =	vld [tilespmem:s25+$0xFFFFFFE0];
	_ =	sdelay $0x4  }
0x2d: {  	[tilespmem:v0+s20+$0x0] =	vst.idx.msk vm0, v1  }
0x2e: {  	v1 =	vld [tilespmem:s24+$0xFFFFFFE0];
	_ =	sdelay $0x4  }
0x2f: {  	[tilespmem:v0+s21+$0x0] =	vst.idx.msk vm0, v1  }
0x30: {  	v0 =	vld [tilespmem:s29+$0xFFFFFFF0];
	_ =	sdelay $0x4  }
0x31: {  	vm10 =	vlt.s32 v0, $0x1780;
	vm11 =	vlt.s32 v0, $0x177F  }
0x32: {  	v1 =	vld [tilespmem:s28+$0xFFFFFFF0];
	v0 =	vnsel vm11, $0x177F, v0;
	_ =	sdelay $0x4  }
0x33: {  	[tilespmem:v0+s18+$0x0] =	vst.idx.msk vm10, v1  }
0x34: {  	v1 =	vld [tilespmem:s26+$0xFFFFFFF0];
	_ =	sdelay $0x4  }
0x35: {  	[tilespmem:v0+s19+$0x0] =	vst.idx.msk vm10, v1  }
0x36: {  	v1 =	vld [tilespmem:s25+$0xFFFFFFF0];
	_ =	sdelay $0x4  }
0x37: {  	[tilespmem:v0+s20+$0x0] =	vst.idx.msk vm10, v1  }
0x38: {  	v1 =	vld [tilespmem:s24+$0xFFFFFFF0];
	_ =	sdelay $0x4  }
0x39: {  	[tilespmem:v0+s21+$0x0] =	vst.idx.msk vm10, v1  }
0x3a: {  	v0 =	vld [tilespmem:s29+$0x0];
	_ =	sdelay $0x4  }
0x3b: {  	vm12 =	vlt.s32 v0, $0x1780;
	vm13 =	vlt.s32 v0, $0x177F  }
0x3c: {  	v1 =	vld [tilespmem:s28+$0x0];
	v0 =	vnsel vm13, $0x177F, v0;
	_ =	sdelay $0x4  }
0x3d: {  	[tilespmem:v0+s18+$0x0] =	vst.idx.msk vm12, v1  }
0x3e: {  	v1 =	vld [tilespmem:s26+$0x0];
	_ =	sdelay $0x4  }
0x3f: {  	[tilespmem:v0+s19+$0x0] =	vst.idx.msk vm12, v1  }
0x40: {  	v1 =	vld [tilespmem:s25+$0x0];
	_ =	sdelay $0x4  }
0x41: {  	[tilespmem:v0+s20+$0x0] =	vst.idx.msk vm12, v1  }
0x42: {  	v1 =	vld [tilespmem:s24+$0x0];
	_ =	sdelay $0x4  }
0x43: {  	[tilespmem:v0+s21+$0x0] =	vst.idx.msk vm12, v1  }
0x44: {  	v0 =	vld [tilespmem:s29+$0x10];
	_ =	sdelay $0x4  }
0x45: {  	vm14 =	vlt.s32 v0, $0x1780;
	vm15 =	vlt.s32 v0, $0x177F  }
0x46: {  	v1 =	vld [tilespmem:s28+$0x10];
	v0 =	vnsel vm15, $0x177F, v0;
	_ =	sdelay $0x4  }
0x47: {  	[tilespmem:v0+s18+$0x0] =	vst.idx.msk vm14, v1  }
0x48: {  	v1 =	vld [tilespmem:s26+$0x10];
	_ =	sdelay $0x4  }
0x49: {  	[tilespmem:v0+s19+$0x0] =	vst.idx.msk vm14, v1  }
0x4a: {  	v1 =	vld [tilespmem:s25+$0x10];
	_ =	sdelay $0x4  }
0x4b: {  	s23 =	sadd.s32 $0x4, s23;
	[tilespmem:v0+s20+$0x0] =	vst.idx.msk vm14, v1  }
0x4c: {  	p0 =	slt.u32 s23, $0x284;
	v1 =	vld [tilespmem:s24+$0x10]  }
.Ltmp1:
0x4d: {  	_ = 	snop;
	(pc) =	sbr.rel @p0 .LBB2_3-.Ltmp1, $3  }
0x4e: {  	_ =	sdelay $0x1  }
0x4f: {  	s28 =	sadd.s32 $0x40, s28;
	s29 =	sadd.s32 $0x40, s29  }
0x50: {  	s26 =	sadd.s32 $0x40, s26;
	s25 =	sadd.s32 $0x40, s25;
	s24 =	sadd.s32 $0x40, s24;
	[tilespmem:v0+s21+$0x0] =	vst.idx.msk vm14, v1  }
0x51: {  	[hbm4b:s7+s12] =	stream.linear.scatter [tilespmem:s18], [sflag:$0x1], $0x1780, $0x38;
	[tilespmem:$0x12880] =	vst v63  }
0x52: {  	_ =	swait.ge [sflag:s13], $0x1780  }
0x53: {  	[sflag:s13] =	ssyncset.done $0x0  }
0x54: {  	[sflag:s13] =	ssyncadd.s32 $0xFFFFE880  }
0x55: {  	[hbm4b:s8+s12] =	stream.linear.scatter [tilespmem:s19], [sflag:$0x1], $0x1780, $0x38;
	[tilespmem:$0x12880] =	vst v63  }
0x56: {  	_ =	swait.ge [sflag:s13], $0x1780  }
0x57: {  	[sflag:s13] =	ssyncset.done $0x0  }
0x58: {  	[sflag:s13] =	ssyncadd.s32 $0xFFFFE880  }
0x59: {  	[hbm4b:s9+s12] =	stream.linear.scatter [tilespmem:s20], [sflag:$0x1], $0x1780, $0x38;
	[tilespmem:$0x12880] =	vst v63  }
0x5a: {  	s22 =	sadd.s32 $0x1, s22;
	_ =	swait.ge [sflag:s13], $0x1780  }
0x5b: {  	p0 =	sne.s32 s22, s11;
	[sflag:s13] =	ssyncset.done $0x0  }
.Ltmp2:
0x5c: {  	[sflag:s13] =	ssyncadd.s32 $0xFFFFE880;
	(pc) =	sbr.rel @p0 .LBB2_2-.Ltmp2, $4  }
0x5d: {  	[hbm4b:s10+s12] =	stream.linear.scatter [tilespmem:s21], [sflag:$0x1], $0x1780, $0x38;
	[tilespmem:$0x12880] =	vst v63  }
0x5e: {  	_ =	swait.ge [sflag:s13], $0x1780  }
0x5f: {  	[sflag:s13] =	ssyncset.done $0x0  }
0x60: {  	[sflag:s13] =	ssyncadd.s32 $0xFFFFE880  }
.LBB2_5:
0x61: {  	_ =	sfence.sel $0x180000  }
0x62: {  	[bflag:$0x0] =	sbarrier.arrive $0xFFFF  }
0x63: {  	p0 =	sne.s32 s0, $0x0;
	_ =	strace $0x90000047  }
0x64: {  	s0 =	sadd.s32 @!p0 $0x100000, s1;
	[bflag:$0x2] =	sbarrier.arrive $0xFFFF  }
0x65: {  	[sflag:s0] =	ssyncadd.tile.s32 @!p0 $0x1;
	_ =	shalt  }
.Lfunc_end2:
_tile_overlayer_lowered:
.L_overlay_start_2:
0x66: {  	(tag) =	ssettag $0x2  }
0x67: {  	s0 =	rddreg [dreg:$0x0];
	s2 =	stileid.u32  }
0x68: {  	s1 =	rddreg [dreg:$0x1];
	p0 =	sne.s32 s2, $0x0  }
0x69: {  	s3 =	rddreg [dreg:$0x2];
	[bflag:$0x3] =	sbarrier.arrive $0xFFFF;
	s2 =	simm.s32 @!p0 $0x1C01  }
0x6a: {  	[timem:s3], [sflag:s2] =	dma.local @!p0 [hbm:s0], s1  }
0x6b: {  	s0 =	simm.s32 @!p0 $0x1  }
0x6c: {  	_ =	swait.ge @!p0 [sflag:s0], s1  }
0x6d: {  	s1 =	ssub.s32 @!p0 $0x0, s1;
	[sflag:s0] =	ssyncset.done @!p0 $0x0  }
0x6e: {  	[sflag:s0] =	ssyncadd.s32 @!p0 s1  }
0x6f: {  	[bflag:$0x3] =	sbarrier.arrive $0xFFFF  }
0x70: {  	_ =	shalt  }

</sc_bundles>
